<compile_context>
chip_gen: v7x
topology: tpu7x:2x2x1
jax: 0.10.2.dev20260603
libtpu: 0.0.44.dev20260713+nightly
codegen_flags: <defaults>
</compile_context>

<pallas_src>
import functools

import jax
import jax.numpy as jnp
from jax import lax
from jax.experimental import pallas as pl
from jax.experimental.pallas import tpu as pltpu
from jax.experimental.pallas import tpu_sc as plsc

B = 512
N_ORB = 512
N_ELECS = 224
D = 288

NC = 2
NS = 16
NW = NC * NS
RPW = B // NW
L = 16
NCHUNK = N_ORB // L
IDX_HALF = N_ELECS // 2


def _make_sc_gather():
    mesh = plsc.VectorSubcoreMesh(core_axis_name="c", subcore_axis_name="s")

    @functools.partial(
        pl.kernel,
        mesh=mesh,
        out_type=jax.ShapeDtypeStruct((B, N_ELECS, D), jnp.float32),
        compiler_params=pltpu.CompilerParams(
            use_tc_tiling_on_sc=False, needs_layout_passes=False),
        scratch_types=[
            pltpu.VMEM((N_ORB,), jnp.float32),
            pltpu.VMEM((N_ELECS,), jnp.int32),
            pltpu.VMEM((N_ELECS, D), jnp.float32),
            pltpu.SemaphoreType.DMA,
        ],
    )
    def sc_gather(x_hbm, orb_hbm, out_hbm, x_v, idx_v, rows_v, sem):
        wid = lax.axis_index("s") * NC + lax.axis_index("c")
        base = wid * RPW
        col16 = lax.iota(jnp.int32, L)

        def row_body(r, carry):
            row = base + r
            pltpu.sync_copy(x_hbm.at[row], x_v)
            off = jnp.zeros((L,), jnp.int32)
            for j in range(NCHUNK):
                xc = x_v[pl.ds(j * L, L)]
                mask = xc != 0.0
                cum = plsc.cumsum(mask.astype(jnp.int32))
                pos = cum + off - 1
                vals = col16 + (j * L)
                plsc.store_scatter(idx_v, [pos], vals, mask=mask)
                off = off + plsc.all_reduce_population_count(mask)
            c0 = pltpu.async_copy(
                orb_hbm.at[idx_v.at[pl.ds(0, IDX_HALF)]],
                rows_v.at[pl.ds(0, IDX_HALF)], sem)
            c1 = pltpu.async_copy(
                orb_hbm.at[idx_v.at[pl.ds(IDX_HALF, IDX_HALF)]],
                rows_v.at[pl.ds(IDX_HALF, IDX_HALF)], sem)
            c0.wait()
            c1.wait()
            pltpu.sync_copy(rows_v, out_hbm.at[row])
            return carry

        lax.fori_loop(0, RPW, row_body, 0)

    return sc_gather


_sc_gather = _make_sc_gather()


def kernel(x, orbitals_mf, orbitals_hf):
    orbitals = jnp.concatenate((orbitals_mf, orbitals_hf), axis=1)
    return _sc_gather(x, orbitals)

# --- scband reference (transcript-rebuilt; emitter-appended) ---
"""Pipeline reference for scband-orbitals-8658654069018 (READ-ONLY COPY).

The authoritative reference and input builder live on the scoring server;
editing this copy changes nothing except your own understanding.
"""

import jax, jax.numpy as jnp
import numpy as np

B = 512
Lx = 16
Ly = 16
N_ORB = 2 * Lx * Ly  # 512 rows in the orbitals table
N_ELECS = 224
N_HID = 64


def setup_inputs(seed: int = 0) -> dict:
    key = jax.random.key(seed)
    k1, k2 = jax.random.split(key, 2)
    # Occupancy configurations: exactly N_ELECS ones per row (as in VMC sampling).
    scores = jax.random.uniform(k1, (B, N_ORB))
    occ_idx = jnp.argsort(scores, axis=1)[:, :N_ELECS]
    x = jnp.zeros((B, N_ORB), dtype=jnp.float32)
    x = x.at[jnp.arange(B)[:, None], occ_idx].set(1.0)
    # Parameters per __call__ with MFinit='random':
    #   orbitals_mf ~ normal(stddev=0.1), shape (2*Lx*Ly, n_elecs)
    #   orbitals_hf = zeros, shape (2*Lx*Ly, n_hid)
    orbitals_mf = 0.1 * jax.random.normal(k2, (N_ORB, N_ELECS), dtype=jnp.float32)
    orbitals_hf = jnp.zeros((N_ORB, N_HID), dtype=jnp.float32)
    return {"x": x, "orbitals_mf": orbitals_mf, "orbitals_hf": orbitals_hf}


def reference(x, orbitals_mf, orbitals_hf):
    # stop_grad_mf = False -> no stop_gradient applied
    orbitals = jnp.concatenate((orbitals_mf, orbitals_hf), axis=1)  # [2*Lx*Ly, n_elecs + n_hid]
    ind1, ind2 = jnp.nonzero(x, size=x.shape[0] * N_ELECS)
    out = jnp.repeat(jnp.expand_dims(orbitals, 0), x.shape[0], axis=0)[ind1, ind2]
    return out.reshape(-1, N_ELECS, out.shape[1])

if __name__ == "__main__":
    import jax
    _d = setup_inputs()
    print(jax.jit(kernel)(*tuple(_d.values())))

</pallas_src>

<mosaic_0001>
#map = affine_map<(d0, d1) -> (0, 0)>
#map1 = affine_map<(d0, d1) -> (0, 0, 0)>
module attributes {stable_mosaic.version = 14 : i64} {
  func.func @sc_gather(%arg0: i32, %arg1: i32, %arg2: memref<512x512xf32, #tpu.memory_space<hbm>>, %arg3: memref<512x288xf32, #tpu.memory_space<hbm>>, %arg4: memref<512x224x288xf32, #tpu.memory_space<hbm>>, %arg5: memref<512xf32, #tpu.memory_space<vmem>>, %arg6: memref<224xi32, #tpu.memory_space<vmem>>, %arg7: memref<224x288xf32, #tpu.memory_space<vmem>>, %arg8: memref<!tpu.dma_semaphore, #tpu.memory_space<semaphore_mem>>) attributes {dimension_semantics = [#tpu.dimension_semantics<core_parallel>, #tpu.dimension_semantics<subcore_parallel>], iteration_bounds = array<i64: 2, 16>, scalar_prefetch = 0 : i64, scratch_operands = 4 : i64, tpu.core_type = #tpu.core_type<sc_vector_subcore>, window_params = [{transform_indices = #map}, {transform_indices = #map}, {transform_indices = #map1}]} {
    %mul3A = arith.constant 2 : i32
    %mul3A_0 = arith.muli %arg1, %mul3A : i32
    %add3A = arith.addi %mul3A_0, %arg0 : i32
    %mul3A_1 = arith.constant 16 : i32
    %mul3A_2 = arith.muli %add3A, %mul3A_1 : i32
    %iota3A = tpu.iota {dimensions = array<i32: 0>} : vector<16xi32>
    %scan3A = arith.constant 0 : i32
    %scan3A_3 = arith.constant 0 : i32
    %scan3A_4 = arith.constant 16 : i32
    %scan3A_5 = arith.addi %scan3A_3, %scan3A_4 : i32
    %scan3A_6 = arith.constant 1 : i32
    scf.for %scan3A_8 = %scan3A_3 to %scan3A_5 step %scan3A_6  : i32 {
      %add3A_9 = arith.addi %mul3A_2, %scan3A_8 : i32
      "tpu.region"() ({
        %run_scoped3A = tpu.sem_alloc : memref<!tpu.dma_semaphore, #tpu.memory_space<semaphore_mem>>
        %dma_start3A_611 = arith.constant 0 : i32
        %dma_start3A_612 = tpu.memref_slice %arg2[%add3A_9, %dma_start3A_611] : memref<512x512xf32, #tpu.memory_space<hbm>> -> memref<1x512xf32, #tpu.memory_space<hbm>>
        %dma_start3A_613 = tpu.memref_squeeze %dma_start3A_612 : memref<1x512xf32, #tpu.memory_space<hbm>> -> memref<512xf32, #tpu.memory_space<hbm>>
        %dma_start3A_614 = arith.constant 0 : i32
        %dma_start3A_615 = tpu.memref_slice %arg2[%add3A_9, %dma_start3A_614] : memref<512x512xf32, #tpu.memory_space<hbm>> -> memref<1x512xf32, #tpu.memory_space<hbm>>
        %dma_start3A_616 = tpu.memref_squeeze %dma_start3A_615 : memref<1x512xf32, #tpu.memory_space<hbm>> -> memref<512xf32, #tpu.memory_space<hbm>>
        tpu.enqueue_dma source(%dma_start3A_616 : memref<512xf32, #tpu.memory_space<hbm>>) target(%arg5 : memref<512xf32, #tpu.memory_space<vmem>>) target_semaphore(%run_scoped3A : memref<!tpu.dma_semaphore, #tpu.memory_space<semaphore_mem>>)
        %dma_wait3A_617 = arith.constant 0 : i32
        %dma_wait3A_618 = tpu.memref_slice %arg2[%add3A_9, %dma_wait3A_617] : memref<512x512xf32, #tpu.memory_space<hbm>> -> memref<1x512xf32, #tpu.memory_space<hbm>>
        %dma_wait3A_619 = tpu.memref_squeeze %dma_wait3A_618 : memref<1x512xf32, #tpu.memory_space<hbm>> -> memref<512xf32, #tpu.memory_space<hbm>>
        %dma_wait3A_620 = arith.constant 0 : i32
        %dma_wait3A_621 = tpu.memref_slice %arg2[%add3A_9, %dma_wait3A_620] : memref<512x512xf32, #tpu.memory_space<hbm>> -> memref<1x512xf32, #tpu.memory_space<hbm>>
        %dma_wait3A_622 = tpu.memref_squeeze %dma_wait3A_621 : memref<1x512xf32, #tpu.memory_space<hbm>> -> memref<512xf32, #tpu.memory_space<hbm>>
        tpu.wait_dma2 semaphore(%run_scoped3A : memref<!tpu.dma_semaphore, #tpu.memory_space<semaphore_mem>>) src(%dma_wait3A_622 : memref<512xf32, #tpu.memory_space<hbm>>) dst(%arg5 : memref<512xf32, #tpu.memory_space<vmem>>)
        tpu.yield
      }) : () -> ()
      %broadcast_in_dim3A = arith.constant 0 : i32
      %broadcast_in_dim3A_10 = vector.broadcast %broadcast_in_dim3A : i32 to vector<16xi32>
      %get3A = arith.constant 0 : index
      %get3A_11 = tpu.vector_load %arg5[%get3A] {strides = array<i32>} : memref<512xf32, #tpu.memory_space<vmem>>, vector<16xf32>,
      %ne3A = arith.constant 0.000000e+00 : f32
      %ne3A_12 = vector.broadcast %ne3A : f32 to vector<16xf32>
      %ne3A_13 = arith.cmpf one, %get3A_11, %ne3A_12 : vector<16xf32>
      %convert_element_type3A = arith.extui %ne3A_13 : vector<16xi1> to vector<16xi32>
      %broadcast_in_dim3A_14 = arith.constant true
      %broadcast_in_dim3A_15 = vector.broadcast %broadcast_in_dim3A_14 : i1 to vector<16xi1>
      %masked_cumsum3A = tpu.scan <sum>, %convert_element_type3A masked %broadcast_in_dim3A_15 : vector<16xi32>, vector<16xi1> -> vector<16xi32>
      %add3A_16 = arith.addi %masked_cumsum3A, %broadcast_in_dim3A_10 : vector<16xi32>
      %sub3A = arith.constant 1 : i32
      %sub3A_17 = vector.broadcast %sub3A : i32 to vector<16xi32>
      %sub3A_18 = arith.subi %add3A_16, %sub3A_17 : vector<16xi32>
      %add3A_19 = arith.constant 0 : i32
      %add3A_20 = vector.broadcast %add3A_19 : i32 to vector<16xi32>
      %add3A_21 = arith.addi %iota3A, %add3A_20 : vector<16xi32>
      tpu.vector_store_idx %arg6[%sub3A_18], %add3A_21 masked %ne3A_13 : memref<224xi32, #tpu.memory_space<vmem>>[vector<16xi32>], vector<16xi32>, vector<16xi1>
      %all_reduce_population_count3A = tpu.all_reduce %ne3A_13 {dim = 0 : i64, kind = #tpu.reduction_kind<sum>} : vector<16xi1> -> vector<16xi32>
      %add3A_22 = arith.addi %broadcast_in_dim3A_10, %all_reduce_population_count3A : vector<16xi32>
      %get3A_23 = arith.constant 16 : index
      %get3A_24 = tpu.vector_load %arg5[%get3A_23] {strides = array<i32>} : memref<512xf32, #tpu.memory_space<vmem>>, vector<16xf32>,
      %ne3A_25 = arith.constant 0.000000e+00 : f32
      %ne3A_26 = vector.broadcast %ne3A_25 : f32 to vector<16xf32>
      %ne3A_27 = arith.cmpf one, %get3A_24, %ne3A_26 : vector<16xf32>
      %convert_element_type3A_28 = arith.extui %ne3A_27 : vector<16xi1> to vector<16xi32>
      %broadcast_in_dim3A_29 = arith.constant true
      %broadcast_in_dim3A_30 = vector.broadcast %broadcast_in_dim3A_29 : i1 to vector<16xi1>
      %masked_cumsum3A_31 = tpu.scan <sum>, %convert_element_type3A_28 masked %broadcast_in_dim3A_30 : vector<16xi32>, vector<16xi1> -> vector<16xi32>
      %add3A_32 = arith.addi %masked_cumsum3A_31, %add3A_22 : vector<16xi32>
      %sub3A_33 = arith.constant 1 : i32
      %sub3A_34 = vector.broadcast %sub3A_33 : i32 to vector<16xi32>
      %sub3A_35 = arith.subi %add3A_32, %sub3A_34 : vector<16xi32>
      %add3A_36 = arith.constant 16 : i32
      %add3A_37 = vector.broadcast %add3A_36 : i32 to vector<16xi32>
      %add3A_38 = arith.addi %iota3A, %add3A_37 : vector<16xi32>
      tpu.vector_store_idx %arg6[%sub3A_35], %add3A_38 masked %ne3A_27 : memref<224xi32, #tpu.memory_space<vmem>>[vector<16xi32>], vector<16xi32>, vector<16xi1>
      %all_reduce_population_count3A_39 = tpu.all_reduce %ne3A_27 {dim = 0 : i64, kind = #tpu.reduction_kind<sum>} : vector<16xi1> -> vector<16xi32>
      %add3A_40 = arith.addi %add3A_22, %all_reduce_population_count3A_39 : vector<16xi32>
      %get3A_41 = arith.constant 32 : index
      %get3A_42 = tpu.vector_load %arg5[%get3A_41] {strides = array<i32>} : memref<512xf32, #tpu.memory_space<vmem>>, vector<16xf32>,
      %ne3A_43 = arith.constant 0.000000e+00 : f32
      %ne3A_44 = vector.broadcast %ne3A_43 : f32 to vector<16xf32>
      %ne3A_45 = arith.cmpf one, %get3A_42, %ne3A_44 : vector<16xf32>
      %convert_element_type3A_46 = arith.extui %ne3A_45 : vector<16xi1> to vector<16xi32>
      %broadcast_in_dim3A_47 = arith.constant true
      %broadcast_in_dim3A_48 = vector.broadcast %broadcast_in_dim3A_47 : i1 to vector<16xi1>
      %masked_cumsum3A_49 = tpu.scan <sum>, %convert_element_type3A_46 masked %broadcast_in_dim3A_48 : vector<16xi32>, vector<16xi1> -> vector<16xi32>
      %add3A_50 = arith.addi %masked_cumsum3A_49, %add3A_40 : vector<16xi32>
      %sub3A_51 = arith.constant 1 : i32
      %sub3A_52 = vector.broadcast %sub3A_51 : i32 to vector<16xi32>
      %sub3A_53 = arith.subi %add3A_50, %sub3A_52 : vector<16xi32>
      %add3A_54 = arith.constant 32 : i32
      %add3A_55 = vector.broadcast %add3A_54 : i32 to vector<16xi32>
      %add3A_56 = arith.addi %iota3A, %add3A_55 : vector<16xi32>
      tpu.vector_store_idx %arg6[%sub3A_53], %add3A_56 masked %ne3A_45 : memref<224xi32, #tpu.memory_space<vmem>>[vector<16xi32>], vector<16xi32>, vector<16xi1>
      %all_reduce_population_count3A_57 = tpu.all_reduce %ne3A_45 {dim = 0 : i64, kind = #tpu.reduction_kind<sum>} : vector<16xi1> -> vector<16xi32>
      %add3A_58 = arith.addi %add3A_40, %all_reduce_population_count3A_57 : vector<16xi32>
      %get3A_59 = arith.constant 48 : index
      %get3A_60 = tpu.vector_load %arg5[%get3A_59] {strides = array<i32>} : memref<512xf32, #tpu.memory_space<vmem>>, vector<16xf32>,
      %ne3A_61 = arith.constant 0.000000e+00 : f32
      %ne3A_62 = vector.broadcast %ne3A_61 : f32 to vector<16xf32>
      %ne3A_63 = arith.cmpf one, %get3A_60, %ne3A_62 : vector<16xf32>
      %convert_element_type3A_64 = arith.extui %ne3A_63 : vector<16xi1> to vector<16xi32>
      %broadcast_in_dim3A_65 = arith.constant true
      %broadcast_in_dim3A_66 = vector.broadcast %broadcast_in_dim3A_65 : i1 to vector<16xi1>
      %masked_cumsum3A_67 = tpu.scan <sum>, %convert_element_type3A_64 masked %broadcast_in_dim3A_66 : vector<16xi32>, vector<16xi1> -> vector<16xi32>
      %add3A_68 = arith.addi %masked_cumsum3A_67, %add3A_58 : vector<16xi32>
      %sub3A_69 = arith.constant 1 : i32
      %sub3A_70 = vector.broadcast %sub3A_69 : i32 to vector<16xi32>
      %sub3A_71 = arith.subi %add3A_68, %sub3A_70 : vector<16xi32>
      %add3A_72 = arith.constant 48 : i32
      %add3A_73 = vector.broadcast %add3A_72 : i32 to vector<16xi32>
      %add3A_74 = arith.addi %iota3A, %add3A_73 : vector<16xi32>
      tpu.vector_store_idx %arg6[%sub3A_71], %add3A_74 masked %ne3A_63 : memref<224xi32, #tpu.memory_space<vmem>>[vector<16xi32>], vector<16xi32>, vector<16xi1>
      %all_reduce_population_count3A_75 = tpu.all_reduce %ne3A_63 {dim = 0 : i64, kind = #tpu.reduction_kind<sum>} : vector<16xi1> -> vector<16xi32>
      %add3A_76 = arith.addi %add3A_58, %all_reduce_population_count3A_75 : vector<16xi32>
      %get3A_77 = arith.constant 64 : index
      %get3A_78 = tpu.vector_load %arg5[%get3A_77] {strides = array<i32>} : memref<512xf32, #tpu.memory_space<vmem>>, vector<16xf32>,
      %ne3A_79 = arith.constant 0.000000e+00 : f32
      %ne3A_80 = vector.broadcast %ne3A_79 : f32 to vector<16xf32>
      %ne3A_81 = arith.cmpf one, %get3A_78, %ne3A_80 : vector<16xf32>
      %convert_element_type3A_82 = arith.extui %ne3A_81 : vector<16xi1> to vector<16xi32>
      %broadcast_in_dim3A_83 = arith.constant true
      %broadcast_in_dim3A_84 = vector.broadcast %broadcast_in_dim3A_83 : i1 to vector<16xi1>
      %masked_cumsum3A_85 = tpu.scan <sum>, %convert_element_type3A_82 masked %broadcast_in_dim3A_84 : vector<16xi32>, vector<16xi1> -> vector<16xi32>
      %add3A_86 = arith.addi %masked_cumsum3A_85, %add3A_76 : vector<16xi32>
      %sub3A_87 = arith.constant 1 : i32
      %sub3A_88 = vector.broadcast %sub3A_87 : i32 to vector<16xi32>
      %sub3A_89 = arith.subi %add3A_86, %sub3A_88 : vector<16xi32>
      %add3A_90 = arith.constant 64 : i32
      %add3A_91 = vector.broadcast %add3A_90 : i32 to vector<16xi32>
      %add3A_92 = arith.addi %iota3A, %add3A_91 : vector<16xi32>
      tpu.vector_store_idx %arg6[%sub3A_89], %add3A_92 masked %ne3A_81 : memref<224xi32, #tpu.memory_space<vmem>>[vector<16xi32>], vector<16xi32>, vector<16xi1>
      %all_reduce_population_count3A_93 = tpu.all_reduce %ne3A_81 {dim = 0 : i64, kind = #tpu.reduction_kind<sum>} : vector<16xi1> -> vector<16xi32>
      %add3A_94 = arith.addi %add3A_76, %all_reduce_population_count3A_93 : vector<16xi32>
      %get3A_95 = arith.constant 80 : index
      %get3A_96 = tpu.vector_load %arg5[%get3A_95] {strides = array<i32>} : memref<512xf32, #tpu.memory_space<vmem>>, vector<16xf32>,
      %ne3A_97 = arith.constant 0.000000e+00 : f32
      %ne3A_98 = vector.broadcast %ne3A_97 : f32 to vector<16xf32>
      %ne3A_99 = arith.cmpf one, %get3A_96, %ne3A_98 : vector<16xf32>
      %convert_element_type3A_100 = arith.extui %ne3A_99 : vector<16xi1> to vector<16xi32>
      %broadcast_in_dim3A_101 = arith.constant true
      %broadcast_in_dim3A_102 = vector.broadcast %broadcast_in_dim3A_101 : i1 to vector<16xi1>
      %masked_cumsum3A_103 = tpu.scan <sum>, %convert_element_type3A_100 masked %broadcast_in_dim3A_102 : vector<16xi32>, vector<16xi1> -> vector<16xi32>
      %add3A_104 = arith.addi %masked_cumsum3A_103, %add3A_94 : vector<16xi32>
      %sub3A_105 = arith.constant 1 : i32
      %sub3A_106 = vector.broadcast %sub3A_105 : i32 to vector<16xi32>
      %sub3A_107 = arith.subi %add3A_104, %sub3A_106 : vector<16xi32>
      %add3A_108 = arith.constant 80 : i32
      %add3A_109 = vector.broadcast %add3A_108 : i32 to vector<16xi32>
      %add3A_110 = arith.addi %iota3A, %add3A_109 : vector<16xi32>
      tpu.vector_store_idx %arg6[%sub3A_107], %add3A_110 masked %ne3A_99 : memref<224xi32, #tpu.memory_space<vmem>>[vector<16xi32>], vector<16xi32>, vector<16xi1>
      %all_reduce_population_count3A_111 = tpu.all_reduce %ne3A_99 {dim = 0 : i64, kind = #tpu.reduction_kind<sum>} : vector<16xi1> -> vector<16xi32>
      %add3A_112 = arith.addi %add3A_94, %all_reduce_population_count3A_111 : vector<16xi32>
      %get3A_113 = arith.constant 96 : index
      %get3A_114 = tpu.vector_load %arg5[%get3A_113] {strides = array<i32>} : memref<512xf32, #tpu.memory_space<vmem>>, vector<16xf32>,
      %ne3A_115 = arith.constant 0.000000e+00 : f32
      %ne3A_116 = vector.broadcast %ne3A_115 : f32 to vector<16xf32>
      %ne3A_117 = arith.cmpf one, %get3A_114, %ne3A_116 : vector<16xf32>
      %convert_element_type3A_118 = arith.extui %ne3A_117 : vector<16xi1> to vector<16xi32>
      %broadcast_in_dim3A_119 = arith.constant true
      %broadcast_in_dim3A_120 = vector.broadcast %broadcast_in_dim3A_119 : i1 to vector<16xi1>
      %masked_cumsum3A_121 = tpu.scan <sum>, %convert_element_type3A_118 masked %broadcast_in_dim3A_120 : vector<16xi32>, vector<16xi1> -> vector<16xi32>
      %add3A_122 = arith.addi %masked_cumsum3A_121, %add3A_112 : vector<16xi32>
      %sub3A_123 = arith.constant 1 : i32
      %sub3A_124 = vector.broadcast %sub3A_123 : i32 to vector<16xi32>
      %sub3A_125 = arith.subi %add3A_122, %sub3A_124 : vector<16xi32>
      %add3A_126 = arith.constant 96 : i32
      %add3A_127 = vector.broadcast %add3A_126 : i32 to vector<16xi32>
      %add3A_128 = arith.addi %iota3A, %add3A_127 : vector<16xi32>
      tpu.vector_store_idx %arg6[%sub3A_125], %add3A_128 masked %ne3A_117 : memref<224xi32, #tpu.memory_space<vmem>>[vector<16xi32>], vector<16xi32>, vector<16xi1>
      %all_reduce_population_count3A_129 = tpu.all_reduce %ne3A_117 {dim = 0 : i64, kind = #tpu.reduction_kind<sum>} : vector<16xi1> -> vector<16xi32>
      %add3A_130 = arith.addi %add3A_112, %all_reduce_population_count3A_129 : vector<16xi32>
      %get3A_131 = arith.constant 112 : index
      %get3A_132 = tpu.vector_load %arg5[%get3A_131] {strides = array<i32>} : memref<512xf32, #tpu.memory_space<vmem>>, vector<16xf32>,
      %ne3A_133 = arith.constant 0.000000e+00 : f32
      %ne3A_134 = vector.broadcast %ne3A_133 : f32 to vector<16xf32>
      %ne3A_135 = arith.cmpf one, %get3A_132, %ne3A_134 : vector<16xf32>
      %convert_element_type3A_136 = arith.extui %ne3A_135 : vector<16xi1> to vector<16xi32>
      %broadcast_in_dim3A_137 = arith.constant true
      %broadcast_in_dim3A_138 = vector.broadcast %broadcast_in_dim3A_137 : i1 to vector<16xi1>
      %masked_cumsum3A_139 = tpu.scan <sum>, %convert_element_type3A_136 masked %broadcast_in_dim3A_138 : vector<16xi32>, vector<16xi1> -> vector<16xi32>
      %add3A_140 = arith.addi %masked_cumsum3A_139, %add3A_130 : vector<16xi32>
      %sub3A_141 = arith.constant 1 : i32
      %sub3A_142 = vector.broadcast %sub3A_141 : i32 to vector<16xi32>
      %sub3A_143 = arith.subi %add3A_140, %sub3A_142 : vector<16xi32>
      %add3A_144 = arith.constant 112 : i32
      %add3A_145 = vector.broadcast %add3A_144 : i32 to vector<16xi32>
      %add3A_146 = arith.addi %iota3A, %add3A_145 : vector<16xi32>
      tpu.vector_store_idx %arg6[%sub3A_143], %add3A_146 masked %ne3A_135 : memref<224xi32, #tpu.memory_space<vmem>>[vector<16xi32>], vector<16xi32>, vector<16xi1>
      %all_reduce_population_count3A_147 = tpu.all_reduce %ne3A_135 {dim = 0 : i64, kind = #tpu.reduction_kind<sum>} : vector<16xi1> -> vector<16xi32>
      %add3A_148 = arith.addi %add3A_130, %all_reduce_population_count3A_147 : vector<16xi32>
      %get3A_149 = arith.constant 128 : index
      %get3A_150 = tpu.vector_load %arg5[%get3A_149] {strides = array<i32>} : memref<512xf32, #tpu.memory_space<vmem>>, vector<16xf32>,
      %ne3A_151 = arith.constant 0.000000e+00 : f32
      %ne3A_152 = vector.broadcast %ne3A_151 : f32 to vector<16xf32>
      %ne3A_153 = arith.cmpf one, %get3A_150, %ne3A_152 : vector<16xf32>
      %convert_element_type3A_154 = arith.extui %ne3A_153 : vector<16xi1> to vector<16xi32>
      %broadcast_in_dim3A_155 = arith.constant true
      %broadcast_in_dim3A_156 = vector.broadcast %broadcast_in_dim3A_155 : i1 to vector<16xi1>
      %masked_cumsum3A_157 = tpu.scan <sum>, %convert_element_type3A_154 masked %broadcast_in_dim3A_156 : vector<16xi32>, vector<16xi1> -> vector<16xi32>
      %add3A_158 = arith.addi %masked_cumsum3A_157, %add3A_148 : vector<16xi32>
      %sub3A_159 = arith.constant 1 : i32
      %sub3A_160 = vector.broadcast %sub3A_159 : i32 to vector<16xi32>
      %sub3A_161 = arith.subi %add3A_158, %sub3A_160 : vector<16xi32>
      %add3A_162 = arith.constant 128 : i32
      %add3A_163 = vector.broadcast %add3A_162 : i32 to vector<16xi32>
      %add3A_164 = arith.addi %iota3A, %add3A_163 : vector<16xi32>
      tpu.vector_store_idx %arg6[%sub3A_161], %add3A_164 masked %ne3A_153 : memref<224xi32, #tpu.memory_space<vmem>>[vector<16xi32>], vector<16xi32>, vector<16xi1>
      %all_reduce_population_count3A_165 = tpu.all_reduce %ne3A_153 {dim = 0 : i64, kind = #tpu.reduction_kind<sum>} : vector<16xi1> -> vector<16xi32>
      %add3A_166 = arith.addi %add3A_148, %all_reduce_population_count3A_165 : vector<16xi32>
      %get3A_167 = arith.constant 144 : index
      %get3A_168 = tpu.vector_load %arg5[%get3A_167] {strides = array<i32>} : memref<512xf32, #tpu.memory_space<vmem>>, vector<16xf32>,
      %ne3A_169 = arith.constant 0.000000e+00 : f32
      %ne3A_170 = vector.broadcast %ne3A_169 : f32 to vector<16xf32>
      %ne3A_171 = arith.cmpf one, %get3A_168, %ne3A_170 : vector<16xf32>
      %convert_element_type3A_172 = arith.extui %ne3A_171 : vector<16xi1> to vector<16xi32>
      %broadcast_in_dim3A_173 = arith.constant true
      %broadcast_in_dim3A_174 = vector.broadcast %broadcast_in_dim3A_173 : i1 to vector<16xi1>
      %masked_cumsum3A_175 = tpu.scan <sum>, %convert_element_type3A_172 masked %broadcast_in_dim3A_174 : vector<16xi32>, vector<16xi1> -> vector<16xi32>
      %add3A_176 = arith.addi %masked_cumsum3A_175, %add3A_166 : vector<16xi32>
      %sub3A_177 = arith.constant 1 : i32
      %sub3A_178 = vector.broadcast %sub3A_177 : i32 to vector<16xi32>
      %sub3A_179 = arith.subi %add3A_176, %sub3A_178 : vector<16xi32>
      %add3A_180 = arith.constant 144 : i32
      %add3A_181 = vector.broadcast %add3A_180 : i32 to vector<16xi32>
      %add3A_182 = arith.addi %iota3A, %add3A_181 : vector<16xi32>
      tpu.vector_store_idx %arg6[%sub3A_179], %add3A_182 masked %ne3A_171 : memref<224xi32, #tpu.memory_space<vmem>>[vector<16xi32>], vector<16xi32>, vector<16xi1>
      %all_reduce_population_count3A_183 = tpu.all_reduce %ne3A_171 {dim = 0 : i64, kind = #tpu.reduction_kind<sum>} : vector<16xi1> -> vector<16xi32>
      %add3A_184 = arith.addi %add3A_166, %all_reduce_population_count3A_183 : vector<16xi32>
      %get3A_185 = arith.constant 160 : index
      %get3A_186 = tpu.vector_load %arg5[%get3A_185] {strides = array<i32>} : memref<512xf32, #tpu.memory_space<vmem>>, vector<16xf32>,
      %ne3A_187 = arith.constant 0.000000e+00 : f32
      %ne3A_188 = vector.broadcast %ne3A_187 : f32 to vector<16xf32>
      %ne3A_189 = arith.cmpf one, %get3A_186, %ne3A_188 : vector<16xf32>
      %convert_element_type3A_190 = arith.extui %ne3A_189 : vector<16xi1> to vector<16xi32>
      %broadcast_in_dim3A_191 = arith.constant true
      %broadcast_in_dim3A_192 = vector.broadcast %broadcast_in_dim3A_191 : i1 to vector<16xi1>
      %masked_cumsum3A_193 = tpu.scan <sum>, %convert_element_type3A_190 masked %broadcast_in_dim3A_192 : vector<16xi32>, vector<16xi1> -> vector<16xi32>
      %add3A_194 = arith.addi %masked_cumsum3A_193, %add3A_184 : vector<16xi32>
      %sub3A_195 = arith.constant 1 : i32
      %sub3A_196 = vector.broadcast %sub3A_195 : i32 to vector<16xi32>
      %sub3A_197 = arith.subi %add3A_194, %sub3A_196 : vector<16xi32>
      %add3A_198 = arith.constant 160 : i32
      %add3A_199 = vector.broadcast %add3A_198 : i32 to vector<16xi32>
      %add3A_200 = arith.addi %iota3A, %add3A_199 : vector<16xi32>
      tpu.vector_store_idx %arg6[%sub3A_197], %add3A_200 masked %ne3A_189 : memref<224xi32, #tpu.memory_space<vmem>>[vector<16xi32>], vector<16xi32>, vector<16xi1>
      %all_reduce_population_count3A_201 = tpu.all_reduce %ne3A_189 {dim = 0 : i64, kind = #tpu.reduction_kind<sum>} : vector<16xi1> -> vector<16xi32>
      %add3A_202 = arith.addi %add3A_184, %all_reduce_population_count3A_201 : vector<16xi32>
      %get3A_203 = arith.constant 176 : index
      %get3A_204 = tpu.vector_load %arg5[%get3A_203] {strides = array<i32>} : memref<512xf32, #tpu.memory_space<vmem>>, vector<16xf32>,
      %ne3A_205 = arith.constant 0.000000e+00 : f32
      %ne3A_206 = vector.broadcast %ne3A_205 : f32 to vector<16xf32>
      %ne3A_207 = arith.cmpf one, %get3A_204, %ne3A_206 : vector<16xf32>
      %convert_element_type3A_208 = arith.extui %ne3A_207 : vector<16xi1> to vector<16xi32>
      %broadcast_in_dim3A_209 = arith.constant true
      %broadcast_in_dim3A_210 = vector.broadcast %broadcast_in_dim3A_209 : i1 to vector<16xi1>
      %masked_cumsum3A_211 = tpu.scan <sum>, %convert_element_type3A_208 masked %broadcast_in_dim3A_210 : vector<16xi32>, vector<16xi1> -> vector<16xi32>
      %add3A_212 = arith.addi %masked_cumsum3A_211, %add3A_202 : vector<16xi32>
      %sub3A_213 = arith.constant 1 : i32
      %sub3A_214 = vector.broadcast %sub3A_213 : i32 to vector<16xi32>
      %sub3A_215 = arith.subi %add3A_212, %sub3A_214 : vector<16xi32>
      %add3A_216 = arith.constant 176 : i32
      %add3A_217 = vector.broadcast %add3A_216 : i32 to vector<16xi32>
      %add3A_218 = arith.addi %iota3A, %add3A_217 : vector<16xi32>
      tpu.vector_store_idx %arg6[%sub3A_215], %add3A_218 masked %ne3A_207 : memref<224xi32, #tpu.memory_space<vmem>>[vector<16xi32>], vector<16xi32>, vector<16xi1>
      %all_reduce_population_count3A_219 = tpu.all_reduce %ne3A_207 {dim = 0 : i64, kind = #tpu.reduction_kind<sum>} : vector<16xi1> -> vector<16xi32>
      %add3A_220 = arith.addi %add3A_202, %all_reduce_population_count3A_219 : vector<16xi32>
      %get3A_221 = arith.constant 192 : index
      %get3A_222 = tpu.vector_load %arg5[%get3A_221] {strides = array<i32>} : memref<512xf32, #tpu.memory_space<vmem>>, vector<16xf32>,
      %ne3A_223 = arith.constant 0.000000e+00 : f32
      %ne3A_224 = vector.broadcast %ne3A_223 : f32 to vector<16xf32>
      %ne3A_225 = arith.cmpf one, %get3A_222, %ne3A_224 : vector<16xf32>
      %convert_element_type3A_226 = arith.extui %ne3A_225 : vector<16xi1> to vector<16xi32>
      %broadcast_in_dim3A_227 = arith.constant true
      %broadcast_in_dim3A_228 = vector.broadcast %broadcast_in_dim3A_227 : i1 to vector<16xi1>
      %masked_cumsum3A_229 = tpu.scan <sum>, %convert_element_type3A_226 masked %broadcast_in_dim3A_228 : vector<16xi32>, vector<16xi1> -> vector<16xi32>
      %add3A_230 = arith.addi %masked_cumsum3A_229, %add3A_220 : vector<16xi32>
      %sub3A_231 = arith.constant 1 : i32
      %sub3A_232 = vector.broadcast %sub3A_231 : i32 to vector<16xi32>
      %sub3A_233 = arith.subi %add3A_230, %sub3A_232 : vector<16xi32>
      %add3A_234 = arith.constant 192 : i32
      %add3A_235 = vector.broadcast %add3A_234 : i32 to vector<16xi32>
      %add3A_236 = arith.addi %iota3A, %add3A_235 : vector<16xi32>
      tpu.vector_store_idx %arg6[%sub3A_233], %add3A_236 masked %ne3A_225 : memref<224xi32, #tpu.memory_space<vmem>>[vector<16xi32>], vector<16xi32>, vector<16xi1>
      %all_reduce_population_count3A_237 = tpu.all_reduce %ne3A_225 {dim = 0 : i64, kind = #tpu.reduction_kind<sum>} : vector<16xi1> -> vector<16xi32>
      %add3A_238 = arith.addi %add3A_220, %all_reduce_population_count3A_237 : vector<16xi32>
      %get3A_239 = arith.constant 208 : index
      %get3A_240 = tpu.vector_load %arg5[%get3A_239] {strides = array<i32>} : memref<512xf32, #tpu.memory_space<vmem>>, vector<16xf32>,
      %ne3A_241 = arith.constant 0.000000e+00 : f32
      %ne3A_242 = vector.broadcast %ne3A_241 : f32 to vector<16xf32>
      %ne3A_243 = arith.cmpf one, %get3A_240, %ne3A_242 : vector<16xf32>
      %convert_element_type3A_244 = arith.extui %ne3A_243 : vector<16xi1> to vector<16xi32>
      %broadcast_in_dim3A_245 = arith.constant true
      %broadcast_in_dim3A_246 = vector.broadcast %broadcast_in_dim3A_245 : i1 to vector<16xi1>
      %masked_cumsum3A_247 = tpu.scan <sum>, %convert_element_type3A_244 masked %broadcast_in_dim3A_246 : vector<16xi32>, vector<16xi1> -> vector<16xi32>
      %add3A_248 = arith.addi %masked_cumsum3A_247, %add3A_238 : vector<16xi32>
      %sub3A_249 = arith.constant 1 : i32
      %sub3A_250 = vector.broadcast %sub3A_249 : i32 to vector<16xi32>
      %sub3A_251 = arith.subi %add3A_248, %sub3A_250 : vector<16xi32>
      %add3A_252 = arith.constant 208 : i32
      %add3A_253 = vector.broadcast %add3A_252 : i32 to vector<16xi32>
      %add3A_254 = arith.addi %iota3A, %add3A_253 : vector<16xi32>
      tpu.vector_store_idx %arg6[%sub3A_251], %add3A_254 masked %ne3A_243 : memref<224xi32, #tpu.memory_space<vmem>>[vector<16xi32>], vector<16xi32>, vector<16xi1>
      %all_reduce_population_count3A_255 = tpu.all_reduce %ne3A_243 {dim = 0 : i64, kind = #tpu.reduction_kind<sum>} : vector<16xi1> -> vector<16xi32>
      %add3A_256 = arith.addi %add3A_238, %all_reduce_population_count3A_255 : vector<16xi32>
      %get3A_257 = arith.constant 224 : index
      %get3A_258 = tpu.vector_load %arg5[%get3A_257] {strides = array<i32>} : memref<512xf32, #tpu.memory_space<vmem>>, vector<16xf32>,
      %ne3A_259 = arith.constant 0.000000e+00 : f32
      %ne3A_260 = vector.broadcast %ne3A_259 : f32 to vector<16xf32>
      %ne3A_261 = arith.cmpf one, %get3A_258, %ne3A_260 : vector<16xf32>
      %convert_element_type3A_262 = arith.extui %ne3A_261 : vector<16xi1> to vector<16xi32>
      %broadcast_in_dim3A_263 = arith.constant true
      %broadcast_in_dim3A_264 = vector.broadcast %broadcast_in_dim3A_263 : i1 to vector<16xi1>
      %masked_cumsum3A_265 = tpu.scan <sum>, %convert_element_type3A_262 masked %broadcast_in_dim3A_264 : vector<16xi32>, vector<16xi1> -> vector<16xi32>
      %add3A_266 = arith.addi %masked_cumsum3A_265, %add3A_256 : vector<16xi32>
      %sub3A_267 = arith.constant 1 : i32
      %sub3A_268 = vector.broadcast %sub3A_267 : i32 to vector<16xi32>
      %sub3A_269 = arith.subi %add3A_266, %sub3A_268 : vector<16xi32>
      %add3A_270 = arith.constant 224 : i32
      %add3A_271 = vector.broadcast %add3A_270 : i32 to vector<16xi32>
      %add3A_272 = arith.addi %iota3A, %add3A_271 : vector<16xi32>
      tpu.vector_store_idx %arg6[%sub3A_269], %add3A_272 masked %ne3A_261 : memref<224xi32, #tpu.memory_space<vmem>>[vector<16xi32>], vector<16xi32>, vector<16xi1>
      %all_reduce_population_count3A_273 = tpu.all_reduce %ne3A_261 {dim = 0 : i64, kind = #tpu.reduction_kind<sum>} : vector<16xi1> -> vector<16xi32>
      %add3A_274 = arith.addi %add3A_256, %all_reduce_population_count3A_273 : vector<16xi32>
      %get3A_275 = arith.constant 240 : index
      %get3A_276 = tpu.vector_load %arg5[%get3A_275] {strides = array<i32>} : memref<512xf32, #tpu.memory_space<vmem>>, vector<16xf32>,
      %ne3A_277 = arith.constant 0.000000e+00 : f32
      %ne3A_278 = vector.broadcast %ne3A_277 : f32 to vector<16xf32>
      %ne3A_279 = arith.cmpf one, %get3A_276, %ne3A_278 : vector<16xf32>
      %convert_element_type3A_280 = arith.extui %ne3A_279 : vector<16xi1> to vector<16xi32>
      %broadcast_in_dim3A_281 = arith.constant true
      %broadcast_in_dim3A_282 = vector.broadcast %broadcast_in_dim3A_281 : i1 to vector<16xi1>
      %masked_cumsum3A_283 = tpu.scan <sum>, %convert_element_type3A_280 masked %broadcast_in_dim3A_282 : vector<16xi32>, vector<16xi1> -> vector<16xi32>
      %add3A_284 = arith.addi %masked_cumsum3A_283, %add3A_274 : vector<16xi32>
      %sub3A_285 = arith.constant 1 : i32
      %sub3A_286 = vector.broadcast %sub3A_285 : i32 to vector<16xi32>
      %sub3A_287 = arith.subi %add3A_284, %sub3A_286 : vector<16xi32>
      %add3A_288 = arith.constant 240 : i32
      %add3A_289 = vector.broadcast %add3A_288 : i32 to vector<16xi32>
      %add3A_290 = arith.addi %iota3A, %add3A_289 : vector<16xi32>
      tpu.vector_store_idx %arg6[%sub3A_287], %add3A_290 masked %ne3A_279 : memref<224xi32, #tpu.memory_space<vmem>>[vector<16xi32>], vector<16xi32>, vector<16xi1>
      %all_reduce_population_count3A_291 = tpu.all_reduce %ne3A_279 {dim = 0 : i64, kind = #tpu.reduction_kind<sum>} : vector<16xi1> -> vector<16xi32>
      %add3A_292 = arith.addi %add3A_274, %all_reduce_population_count3A_291 : vector<16xi32>
      %get3A_293 = arith.constant 256 : index
      %get3A_294 = tpu.vector_load %arg5[%get3A_293] {strides = array<i32>} : memref<512xf32, #tpu.memory_space<vmem>>, vector<16xf32>,
      %ne3A_295 = arith.constant 0.000000e+00 : f32
      %ne3A_296 = vector.broadcast %ne3A_295 : f32 to vector<16xf32>
      %ne3A_297 = arith.cmpf one, %get3A_294, %ne3A_296 : vector<16xf32>
      %convert_element_type3A_298 = arith.extui %ne3A_297 : vector<16xi1> to vector<16xi32>
      %broadcast_in_dim3A_299 = arith.constant true
      %broadcast_in_dim3A_300 = vector.broadcast %broadcast_in_dim3A_299 : i1 to vector<16xi1>
      %masked_cumsum3A_301 = tpu.scan <sum>, %convert_element_type3A_298 masked %broadcast_in_dim3A_300 : vector<16xi32>, vector<16xi1> -> vector<16xi32>
      %add3A_302 = arith.addi %masked_cumsum3A_301, %add3A_292 : vector<16xi32>
      %sub3A_303 = arith.constant 1 : i32
      %sub3A_304 = vector.broadcast %sub3A_303 : i32 to vector<16xi32>
      %sub3A_305 = arith.subi %add3A_302, %sub3A_304 : vector<16xi32>
      %add3A_306 = arith.constant 256 : i32
      %add3A_307 = vector.broadcast %add3A_306 : i32 to vector<16xi32>
      %add3A_308 = arith.addi %iota3A, %add3A_307 : vector<16xi32>
      tpu.vector_store_idx %arg6[%sub3A_305], %add3A_308 masked %ne3A_297 : memref<224xi32, #tpu.memory_space<vmem>>[vector<16xi32>], vector<16xi32>, vector<16xi1>
      %all_reduce_population_count3A_309 = tpu.all_reduce %ne3A_297 {dim = 0 : i64, kind = #tpu.reduction_kind<sum>} : vector<16xi1> -> vector<16xi32>
      %add3A_310 = arith.addi %add3A_292, %all_reduce_population_count3A_309 : vector<16xi32>
      %get3A_311 = arith.constant 272 : index
      %get3A_312 = tpu.vector_load %arg5[%get3A_311] {strides = array<i32>} : memref<512xf32, #tpu.memory_space<vmem>>, vector<16xf32>,
      %ne3A_313 = arith.constant 0.000000e+00 : f32
      %ne3A_314 = vector.broadcast %ne3A_313 : f32 to vector<16xf32>
      %ne3A_315 = arith.cmpf one, %get3A_312, %ne3A_314 : vector<16xf32>
      %convert_element_type3A_316 = arith.extui %ne3A_315 : vector<16xi1> to vector<16xi32>
      %broadcast_in_dim3A_317 = arith.constant true
      %broadcast_in_dim3A_318 = vector.broadcast %broadcast_in_dim3A_317 : i1 to vector<16xi1>
      %masked_cumsum3A_319 = tpu.scan <sum>, %convert_element_type3A_316 masked %broadcast_in_dim3A_318 : vector<16xi32>, vector<16xi1> -> vector<16xi32>
      %add3A_320 = arith.addi %masked_cumsum3A_319, %add3A_310 : vector<16xi32>
      %sub3A_321 = arith.constant 1 : i32
      %sub3A_322 = vector.broadcast %sub3A_321 : i32 to vector<16xi32>
      %sub3A_323 = arith.subi %add3A_320, %sub3A_322 : vector<16xi32>
      %add3A_324 = arith.constant 272 : i32
      %add3A_325 = vector.broadcast %add3A_324 : i32 to vector<16xi32>
      %add3A_326 = arith.addi %iota3A, %add3A_325 : vector<16xi32>
      tpu.vector_store_idx %arg6[%sub3A_323], %add3A_326 masked %ne3A_315 : memref<224xi32, #tpu.memory_space<vmem>>[vector<16xi32>], vector<16xi32>, vector<16xi1>
      %all_reduce_population_count3A_327 = tpu.all_reduce %ne3A_315 {dim = 0 : i64, kind = #tpu.reduction_kind<sum>} : vector<16xi1> -> vector<16xi32>
      %add3A_328 = arith.addi %add3A_310, %all_reduce_population_count3A_327 : vector<16xi32>
      %get3A_329 = arith.constant 288 : index
      %get3A_330 = tpu.vector_load %arg5[%get3A_329] {strides = array<i32>} : memref<512xf32, #tpu.memory_space<vmem>>, vector<16xf32>,
      %ne3A_331 = arith.constant 0.000000e+00 : f32
      %ne3A_332 = vector.broadcast %ne3A_331 : f32 to vector<16xf32>
      %ne3A_333 = arith.cmpf one, %get3A_330, %ne3A_332 : vector<16xf32>
      %convert_element_type3A_334 = arith.extui %ne3A_333 : vector<16xi1> to vector<16xi32>
      %broadcast_in_dim3A_335 = arith.constant true
      %broadcast_in_dim3A_336 = vector.broadcast %broadcast_in_dim3A_335 : i1 to vector<16xi1>
      %masked_cumsum3A_337 = tpu.scan <sum>, %convert_element_type3A_334 masked %broadcast_in_dim3A_336 : vector<16xi32>, vector<16xi1> -> vector<16xi32>
      %add3A_338 = arith.addi %masked_cumsum3A_337, %add3A_328 : vector<16xi32>
      %sub3A_339 = arith.constant 1 : i32
      %sub3A_340 = vector.broadcast %sub3A_339 : i32 to vector<16xi32>
      %sub3A_341 = arith.subi %add3A_338, %sub3A_340 : vector<16xi32>
      %add3A_342 = arith.constant 288 : i32
      %add3A_343 = vector.broadcast %add3A_342 : i32 to vector<16xi32>
      %add3A_344 = arith.addi %iota3A, %add3A_343 : vector<16xi32>
      tpu.vector_store_idx %arg6[%sub3A_341], %add3A_344 masked %ne3A_333 : memref<224xi32, #tpu.memory_space<vmem>>[vector<16xi32>], vector<16xi32>, vector<16xi1>
      %all_reduce_population_count3A_345 = tpu.all_reduce %ne3A_333 {dim = 0 : i64, kind = #tpu.reduction_kind<sum>} : vector<16xi1> -> vector<16xi32>
      %add3A_346 = arith.addi %add3A_328, %all_reduce_population_count3A_345 : vector<16xi32>
      %get3A_347 = arith.constant 304 : index
      %get3A_348 = tpu.vector_load %arg5[%get3A_347] {strides = array<i32>} : memref<512xf32, #tpu.memory_space<vmem>>, vector<16xf32>,
      %ne3A_349 = arith.constant 0.000000e+00 : f32
      %ne3A_350 = vector.broadcast %ne3A_349 : f32 to vector<16xf32>
      %ne3A_351 = arith.cmpf one, %get3A_348, %ne3A_350 : vector<16xf32>
      %convert_element_type3A_352 = arith.extui %ne3A_351 : vector<16xi1> to vector<16xi32>
      %broadcast_in_dim3A_353 = arith.constant true
      %broadcast_in_dim3A_354 = vector.broadcast %broadcast_in_dim3A_353 : i1 to vector<16xi1>
      %masked_cumsum3A_355 = tpu.scan <sum>, %convert_element_type3A_352 masked %broadcast_in_dim3A_354 : vector<16xi32>, vector<16xi1> -> vector<16xi32>
      %add3A_356 = arith.addi %masked_cumsum3A_355, %add3A_346 : vector<16xi32>
      %sub3A_357 = arith.constant 1 : i32
      %sub3A_358 = vector.broadcast %sub3A_357 : i32 to vector<16xi32>
      %sub3A_359 = arith.subi %add3A_356, %sub3A_358 : vector<16xi32>
      %add3A_360 = arith.constant 304 : i32
      %add3A_361 = vector.broadcast %add3A_360 : i32 to vector<16xi32>
      %add3A_362 = arith.addi %iota3A, %add3A_361 : vector<16xi32>
      tpu.vector_store_idx %arg6[%sub3A_359], %add3A_362 masked %ne3A_351 : memref<224xi32, #tpu.memory_space<vmem>>[vector<16xi32>], vector<16xi32>, vector<16xi1>
      %all_reduce_population_count3A_363 = tpu.all_reduce %ne3A_351 {dim = 0 : i64, kind = #tpu.reduction_kind<sum>} : vector<16xi1> -> vector<16xi32>
      %add3A_364 = arith.addi %add3A_346, %all_reduce_population_count3A_363 : vector<16xi32>
      %get3A_365 = arith.constant 320 : index
      %get3A_366 = tpu.vector_load %arg5[%get3A_365] {strides = array<i32>} : memref<512xf32, #tpu.memory_space<vmem>>, vector<16xf32>,
      %ne3A_367 = arith.constant 0.000000e+00 : f32
      %ne3A_368 = vector.broadcast %ne3A_367 : f32 to vector<16xf32>
      %ne3A_369 = arith.cmpf one, %get3A_366, %ne3A_368 : vector<16xf32>
      %convert_element_type3A_370 = arith.extui %ne3A_369 : vector<16xi1> to vector<16xi32>
      %broadcast_in_dim3A_371 = arith.constant true
      %broadcast_in_dim3A_372 = vector.broadcast %broadcast_in_dim3A_371 : i1 to vector<16xi1>
      %masked_cumsum3A_373 = tpu.scan <sum>, %convert_element_type3A_370 masked %broadcast_in_dim3A_372 : vector<16xi32>, vector<16xi1> -> vector<16xi32>
      %add3A_374 = arith.addi %masked_cumsum3A_373, %add3A_364 : vector<16xi32>
      %sub3A_375 = arith.constant 1 : i32
      %sub3A_376 = vector.broadcast %sub3A_375 : i32 to vector<16xi32>
      %sub3A_377 = arith.subi %add3A_374, %sub3A_376 : vector<16xi32>
      %add3A_378 = arith.constant 320 : i32
      %add3A_379 = vector.broadcast %add3A_378 : i32 to vector<16xi32>
      %add3A_380 = arith.addi %iota3A, %add3A_379 : vector<16xi32>
      tpu.vector_store_idx %arg6[%sub3A_377], %add3A_380 masked %ne3A_369 : memref<224xi32, #tpu.memory_space<vmem>>[vector<16xi32>], vector<16xi32>, vector<16xi1>
      %all_reduce_population_count3A_381 = tpu.all_reduce %ne3A_369 {dim = 0 : i64, kind = #tpu.reduction_kind<sum>} : vector<16xi1> -> vector<16xi32>
      %add3A_382 = arith.addi %add3A_364, %all_reduce_population_count3A_381 : vector<16xi32>
      %get3A_383 = arith.constant 336 : index
      %get3A_384 = tpu.vector_load %arg5[%get3A_383] {strides = array<i32>} : memref<512xf32, #tpu.memory_space<vmem>>, vector<16xf32>,
      %ne3A_385 = arith.constant 0.000000e+00 : f32
      %ne3A_386 = vector.broadcast %ne3A_385 : f32 to vector<16xf32>
      %ne3A_387 = arith.cmpf one, %get3A_384, %ne3A_386 : vector<16xf32>
      %convert_element_type3A_388 = arith.extui %ne3A_387 : vector<16xi1> to vector<16xi32>
      %broadcast_in_dim3A_389 = arith.constant true
      %broadcast_in_dim3A_390 = vector.broadcast %broadcast_in_dim3A_389 : i1 to vector<16xi1>
      %masked_cumsum3A_391 = tpu.scan <sum>, %convert_element_type3A_388 masked %broadcast_in_dim3A_390 : vector<16xi32>, vector<16xi1> -> vector<16xi32>
      %add3A_392 = arith.addi %masked_cumsum3A_391, %add3A_382 : vector<16xi32>
      %sub3A_393 = arith.constant 1 : i32
      %sub3A_394 = vector.broadcast %sub3A_393 : i32 to vector<16xi32>
      %sub3A_395 = arith.subi %add3A_392, %sub3A_394 : vector<16xi32>
      %add3A_396 = arith.constant 336 : i32
      %add3A_397 = vector.broadcast %add3A_396 : i32 to vector<16xi32>
      %add3A_398 = arith.addi %iota3A, %add3A_397 : vector<16xi32>
      tpu.vector_store_idx %arg6[%sub3A_395], %add3A_398 masked %ne3A_387 : memref<224xi32, #tpu.memory_space<vmem>>[vector<16xi32>], vector<16xi32>, vector<16xi1>
      %all_reduce_population_count3A_399 = tpu.all_reduce %ne3A_387 {dim = 0 : i64, kind = #tpu.reduction_kind<sum>} : vector<16xi1> -> vector<16xi32>
      %add3A_400 = arith.addi %add3A_382, %all_reduce_population_count3A_399 : vector<16xi32>
      %get3A_401 = arith.constant 352 : index
      %get3A_402 = tpu.vector_load %arg5[%get3A_401] {strides = array<i32>} : memref<512xf32, #tpu.memory_space<vmem>>, vector<16xf32>,
      %ne3A_403 = arith.constant 0.000000e+00 : f32
      %ne3A_404 = vector.broadcast %ne3A_403 : f32 to vector<16xf32>
      %ne3A_405 = arith.cmpf one, %get3A_402, %ne3A_404 : vector<16xf32>
      %convert_element_type3A_406 = arith.extui %ne3A_405 : vector<16xi1> to vector<16xi32>
      %broadcast_in_dim3A_407 = arith.constant true
      %broadcast_in_dim3A_408 = vector.broadcast %broadcast_in_dim3A_407 : i1 to vector<16xi1>
      %masked_cumsum3A_409 = tpu.scan <sum>, %convert_element_type3A_406 masked %broadcast_in_dim3A_408 : vector<16xi32>, vector<16xi1> -> vector<16xi32>
      %add3A_410 = arith.addi %masked_cumsum3A_409, %add3A_400 : vector<16xi32>
      %sub3A_411 = arith.constant 1 : i32
      %sub3A_412 = vector.broadcast %sub3A_411 : i32 to vector<16xi32>
      %sub3A_413 = arith.subi %add3A_410, %sub3A_412 : vector<16xi32>
      %add3A_414 = arith.constant 352 : i32
      %add3A_415 = vector.broadcast %add3A_414 : i32 to vector<16xi32>
      %add3A_416 = arith.addi %iota3A, %add3A_415 : vector<16xi32>
      tpu.vector_store_idx %arg6[%sub3A_413], %add3A_416 masked %ne3A_405 : memref<224xi32, #tpu.memory_space<vmem>>[vector<16xi32>], vector<16xi32>, vector<16xi1>
      %all_reduce_population_count3A_417 = tpu.all_reduce %ne3A_405 {dim = 0 : i64, kind = #tpu.reduction_kind<sum>} : vector<16xi1> -> vector<16xi32>
      %add3A_418 = arith.addi %add3A_400, %all_reduce_population_count3A_417 : vector<16xi32>
      %get3A_419 = arith.constant 368 : index
      %get3A_420 = tpu.vector_load %arg5[%get3A_419] {strides = array<i32>} : memref<512xf32, #tpu.memory_space<vmem>>, vector<16xf32>,
      %ne3A_421 = arith.constant 0.000000e+00 : f32
      %ne3A_422 = vector.broadcast %ne3A_421 : f32 to vector<16xf32>
      %ne3A_423 = arith.cmpf one, %get3A_420, %ne3A_422 : vector<16xf32>
      %convert_element_type3A_424 = arith.extui %ne3A_423 : vector<16xi1> to vector<16xi32>
      %broadcast_in_dim3A_425 = arith.constant true
      %broadcast_in_dim3A_426 = vector.broadcast %broadcast_in_dim3A_425 : i1 to vector<16xi1>
      %masked_cumsum3A_427 = tpu.scan <sum>, %convert_element_type3A_424 masked %broadcast_in_dim3A_426 : vector<16xi32>, vector<16xi1> -> vector<16xi32>
      %add3A_428 = arith.addi %masked_cumsum3A_427, %add3A_418 : vector<16xi32>
      %sub3A_429 = arith.constant 1 : i32
      %sub3A_430 = vector.broadcast %sub3A_429 : i32 to vector<16xi32>
      %sub3A_431 = arith.subi %add3A_428, %sub3A_430 : vector<16xi32>
      %add3A_432 = arith.constant 368 : i32
      %add3A_433 = vector.broadcast %add3A_432 : i32 to vector<16xi32>
      %add3A_434 = arith.addi %iota3A, %add3A_433 : vector<16xi32>
      tpu.vector_store_idx %arg6[%sub3A_431], %add3A_434 masked %ne3A_423 : memref<224xi32, #tpu.memory_space<vmem>>[vector<16xi32>], vector<16xi32>, vector<16xi1>
      %all_reduce_population_count3A_435 = tpu.all_reduce %ne3A_423 {dim = 0 : i64, kind = #tpu.reduction_kind<sum>} : vector<16xi1> -> vector<16xi32>
      %add3A_436 = arith.addi %add3A_418, %all_reduce_population_count3A_435 : vector<16xi32>
      %get3A_437 = arith.constant 384 : index
      %get3A_438 = tpu.vector_load %arg5[%get3A_437] {strides = array<i32>} : memref<512xf32, #tpu.memory_space<vmem>>, vector<16xf32>,
      %ne3A_439 = arith.constant 0.000000e+00 : f32
      %ne3A_440 = vector.broadcast %ne3A_439 : f32 to vector<16xf32>
      %ne3A_441 = arith.cmpf one, %get3A_438, %ne3A_440 : vector<16xf32>
      %convert_element_type3A_442 = arith.extui %ne3A_441 : vector<16xi1> to vector<16xi32>
      %broadcast_in_dim3A_443 = arith.constant true
      %broadcast_in_dim3A_444 = vector.broadcast %broadcast_in_dim3A_443 : i1 to vector<16xi1>
      %masked_cumsum3A_445 = tpu.scan <sum>, %convert_element_type3A_442 masked %broadcast_in_dim3A_444 : vector<16xi32>, vector<16xi1> -> vector<16xi32>
      %add3A_446 = arith.addi %masked_cumsum3A_445, %add3A_436 : vector<16xi32>
      %sub3A_447 = arith.constant 1 : i32
      %sub3A_448 = vector.broadcast %sub3A_447 : i32 to vector<16xi32>
      %sub3A_449 = arith.subi %add3A_446, %sub3A_448 : vector<16xi32>
      %add3A_450 = arith.constant 384 : i32
      %add3A_451 = vector.broadcast %add3A_450 : i32 to vector<16xi32>
      %add3A_452 = arith.addi %iota3A, %add3A_451 : vector<16xi32>
      tpu.vector_store_idx %arg6[%sub3A_449], %add3A_452 masked %ne3A_441 : memref<224xi32, #tpu.memory_space<vmem>>[vector<16xi32>], vector<16xi32>, vector<16xi1>
      %all_reduce_population_count3A_453 = tpu.all_reduce %ne3A_441 {dim = 0 : i64, kind = #tpu.reduction_kind<sum>} : vector<16xi1> -> vector<16xi32>
      %add3A_454 = arith.addi %add3A_436, %all_reduce_population_count3A_453 : vector<16xi32>
      %get3A_455 = arith.constant 400 : index
      %get3A_456 = tpu.vector_load %arg5[%get3A_455] {strides = array<i32>} : memref<512xf32, #tpu.memory_space<vmem>>, vector<16xf32>,
      %ne3A_457 = arith.constant 0.000000e+00 : f32
      %ne3A_458 = vector.broadcast %ne3A_457 : f32 to vector<16xf32>
      %ne3A_459 = arith.cmpf one, %get3A_456, %ne3A_458 : vector<16xf32>
      %convert_element_type3A_460 = arith.extui %ne3A_459 : vector<16xi1> to vector<16xi32>
      %broadcast_in_dim3A_461 = arith.constant true
      %broadcast_in_dim3A_462 = vector.broadcast %broadcast_in_dim3A_461 : i1 to vector<16xi1>
      %masked_cumsum3A_463 = tpu.scan <sum>, %convert_element_type3A_460 masked %broadcast_in_dim3A_462 : vector<16xi32>, vector<16xi1> -> vector<16xi32>
      %add3A_464 = arith.addi %masked_cumsum3A_463, %add3A_454 : vector<16xi32>
      %sub3A_465 = arith.constant 1 : i32
      %sub3A_466 = vector.broadcast %sub3A_465 : i32 to vector<16xi32>
      %sub3A_467 = arith.subi %add3A_464, %sub3A_466 : vector<16xi32>
      %add3A_468 = arith.constant 400 : i32
      %add3A_469 = vector.broadcast %add3A_468 : i32 to vector<16xi32>
      %add3A_470 = arith.addi %iota3A, %add3A_469 : vector<16xi32>
      tpu.vector_store_idx %arg6[%sub3A_467], %add3A_470 masked %ne3A_459 : memref<224xi32, #tpu.memory_space<vmem>>[vector<16xi32>], vector<16xi32>, vector<16xi1>
      %all_reduce_population_count3A_471 = tpu.all_reduce %ne3A_459 {dim = 0 : i64, kind = #tpu.reduction_kind<sum>} : vector<16xi1> -> vector<16xi32>
      %add3A_472 = arith.addi %add3A_454, %all_reduce_population_count3A_471 : vector<16xi32>
      %get3A_473 = arith.constant 416 : index
      %get3A_474 = tpu.vector_load %arg5[%get3A_473] {strides = array<i32>} : memref<512xf32, #tpu.memory_space<vmem>>, vector<16xf32>,
      %ne3A_475 = arith.constant 0.000000e+00 : f32
      %ne3A_476 = vector.broadcast %ne3A_475 : f32 to vector<16xf32>
      %ne3A_477 = arith.cmpf one, %get3A_474, %ne3A_476 : vector<16xf32>
      %convert_element_type3A_478 = arith.extui %ne3A_477 : vector<16xi1> to vector<16xi32>
      %broadcast_in_dim3A_479 = arith.constant true
      %broadcast_in_dim3A_480 = vector.broadcast %broadcast_in_dim3A_479 : i1 to vector<16xi1>
      %masked_cumsum3A_481 = tpu.scan <sum>, %convert_element_type3A_478 masked %broadcast_in_dim3A_480 : vector<16xi32>, vector<16xi1> -> vector<16xi32>
      %add3A_482 = arith.addi %masked_cumsum3A_481, %add3A_472 : vector<16xi32>
      %sub3A_483 = arith.constant 1 : i32
      %sub3A_484 = vector.broadcast %sub3A_483 : i32 to vector<16xi32>
      %sub3A_485 = arith.subi %add3A_482, %sub3A_484 : vector<16xi32>
      %add3A_486 = arith.constant 416 : i32
      %add3A_487 = vector.broadcast %add3A_486 : i32 to vector<16xi32>
      %add3A_488 = arith.addi %iota3A, %add3A_487 : vector<16xi32>
      tpu.vector_store_idx %arg6[%sub3A_485], %add3A_488 masked %ne3A_477 : memref<224xi32, #tpu.memory_space<vmem>>[vector<16xi32>], vector<16xi32>, vector<16xi1>
      %all_reduce_population_count3A_489 = tpu.all_reduce %ne3A_477 {dim = 0 : i64, kind = #tpu.reduction_kind<sum>} : vector<16xi1> -> vector<16xi32>
      %add3A_490 = arith.addi %add3A_472, %all_reduce_population_count3A_489 : vector<16xi32>
      %get3A_491 = arith.constant 432 : index
      %get3A_492 = tpu.vector_load %arg5[%get3A_491] {strides = array<i32>} : memref<512xf32, #tpu.memory_space<vmem>>, vector<16xf32>,
      %ne3A_493 = arith.constant 0.000000e+00 : f32
      %ne3A_494 = vector.broadcast %ne3A_493 : f32 to vector<16xf32>
      %ne3A_495 = arith.cmpf one, %get3A_492, %ne3A_494 : vector<16xf32>
      %convert_element_type3A_496 = arith.extui %ne3A_495 : vector<16xi1> to vector<16xi32>
      %broadcast_in_dim3A_497 = arith.constant true
      %broadcast_in_dim3A_498 = vector.broadcast %broadcast_in_dim3A_497 : i1 to vector<16xi1>
      %masked_cumsum3A_499 = tpu.scan <sum>, %convert_element_type3A_496 masked %broadcast_in_dim3A_498 : vector<16xi32>, vector<16xi1> -> vector<16xi32>
      %add3A_500 = arith.addi %masked_cumsum3A_499, %add3A_490 : vector<16xi32>
      %sub3A_501 = arith.constant 1 : i32
      %sub3A_502 = vector.broadcast %sub3A_501 : i32 to vector<16xi32>
      %sub3A_503 = arith.subi %add3A_500, %sub3A_502 : vector<16xi32>
      %add3A_504 = arith.constant 432 : i32
      %add3A_505 = vector.broadcast %add3A_504 : i32 to vector<16xi32>
      %add3A_506 = arith.addi %iota3A, %add3A_505 : vector<16xi32>
      tpu.vector_store_idx %arg6[%sub3A_503], %add3A_506 masked %ne3A_495 : memref<224xi32, #tpu.memory_space<vmem>>[vector<16xi32>], vector<16xi32>, vector<16xi1>
      %all_reduce_population_count3A_507 = tpu.all_reduce %ne3A_495 {dim = 0 : i64, kind = #tpu.reduction_kind<sum>} : vector<16xi1> -> vector<16xi32>
      %add3A_508 = arith.addi %add3A_490, %all_reduce_population_count3A_507 : vector<16xi32>
      %get3A_509 = arith.constant 448 : index
      %get3A_510 = tpu.vector_load %arg5[%get3A_509] {strides = array<i32>} : memref<512xf32, #tpu.memory_space<vmem>>, vector<16xf32>,
      %ne3A_511 = arith.constant 0.000000e+00 : f32
      %ne3A_512 = vector.broadcast %ne3A_511 : f32 to vector<16xf32>
      %ne3A_513 = arith.cmpf one, %get3A_510, %ne3A_512 : vector<16xf32>
      %convert_element_type3A_514 = arith.extui %ne3A_513 : vector<16xi1> to vector<16xi32>
      %broadcast_in_dim3A_515 = arith.constant true
      %broadcast_in_dim3A_516 = vector.broadcast %broadcast_in_dim3A_515 : i1 to vector<16xi1>
      %masked_cumsum3A_517 = tpu.scan <sum>, %convert_element_type3A_514 masked %broadcast_in_dim3A_516 : vector<16xi32>, vector<16xi1> -> vector<16xi32>
      %add3A_518 = arith.addi %masked_cumsum3A_517, %add3A_508 : vector<16xi32>
      %sub3A_519 = arith.constant 1 : i32
      %sub3A_520 = vector.broadcast %sub3A_519 : i32 to vector<16xi32>
      %sub3A_521 = arith.subi %add3A_518, %sub3A_520 : vector<16xi32>
      %add3A_522 = arith.constant 448 : i32
      %add3A_523 = vector.broadcast %add3A_522 : i32 to vector<16xi32>
      %add3A_524 = arith.addi %iota3A, %add3A_523 : vector<16xi32>
      tpu.vector_store_idx %arg6[%sub3A_521], %add3A_524 masked %ne3A_513 : memref<224xi32, #tpu.memory_space<vmem>>[vector<16xi32>], vector<16xi32>, vector<16xi1>
      %all_reduce_population_count3A_525 = tpu.all_reduce %ne3A_513 {dim = 0 : i64, kind = #tpu.reduction_kind<sum>} : vector<16xi1> -> vector<16xi32>
      %add3A_526 = arith.addi %add3A_508, %all_reduce_population_count3A_525 : vector<16xi32>
      %get3A_527 = arith.constant 464 : index
      %get3A_528 = tpu.vector_load %arg5[%get3A_527] {strides = array<i32>} : memref<512xf32, #tpu.memory_space<vmem>>, vector<16xf32>,
      %ne3A_529 = arith.constant 0.000000e+00 : f32
      %ne3A_530 = vector.broadcast %ne3A_529 : f32 to vector<16xf32>
      %ne3A_531 = arith.cmpf one, %get3A_528, %ne3A_530 : vector<16xf32>
      %convert_element_type3A_532 = arith.extui %ne3A_531 : vector<16xi1> to vector<16xi32>
      %broadcast_in_dim3A_533 = arith.constant true
      %broadcast_in_dim3A_534 = vector.broadcast %broadcast_in_dim3A_533 : i1 to vector<16xi1>
      %masked_cumsum3A_535 = tpu.scan <sum>, %convert_element_type3A_532 masked %broadcast_in_dim3A_534 : vector<16xi32>, vector<16xi1> -> vector<16xi32>
      %add3A_536 = arith.addi %masked_cumsum3A_535, %add3A_526 : vector<16xi32>
      %sub3A_537 = arith.constant 1 : i32
      %sub3A_538 = vector.broadcast %sub3A_537 : i32 to vector<16xi32>
      %sub3A_539 = arith.subi %add3A_536, %sub3A_538 : vector<16xi32>
      %add3A_540 = arith.constant 464 : i32
      %add3A_541 = vector.broadcast %add3A_540 : i32 to vector<16xi32>
      %add3A_542 = arith.addi %iota3A, %add3A_541 : vector<16xi32>
      tpu.vector_store_idx %arg6[%sub3A_539], %add3A_542 masked %ne3A_531 : memref<224xi32, #tpu.memory_space<vmem>>[vector<16xi32>], vector<16xi32>, vector<16xi1>
      %all_reduce_population_count3A_543 = tpu.all_reduce %ne3A_531 {dim = 0 : i64, kind = #tpu.reduction_kind<sum>} : vector<16xi1> -> vector<16xi32>
      %add3A_544 = arith.addi %add3A_526, %all_reduce_population_count3A_543 : vector<16xi32>
      %get3A_545 = arith.constant 480 : index
      %get3A_546 = tpu.vector_load %arg5[%get3A_545] {strides = array<i32>} : memref<512xf32, #tpu.memory_space<vmem>>, vector<16xf32>,
      %ne3A_547 = arith.constant 0.000000e+00 : f32
      %ne3A_548 = vector.broadcast %ne3A_547 : f32 to vector<16xf32>
      %ne3A_549 = arith.cmpf one, %get3A_546, %ne3A_548 : vector<16xf32>
      %convert_element_type3A_550 = arith.extui %ne3A_549 : vector<16xi1> to vector<16xi32>
      %broadcast_in_dim3A_551 = arith.constant true
      %broadcast_in_dim3A_552 = vector.broadcast %broadcast_in_dim3A_551 : i1 to vector<16xi1>
      %masked_cumsum3A_553 = tpu.scan <sum>, %convert_element_type3A_550 masked %broadcast_in_dim3A_552 : vector<16xi32>, vector<16xi1> -> vector<16xi32>
      %add3A_554 = arith.addi %masked_cumsum3A_553, %add3A_544 : vector<16xi32>
      %sub3A_555 = arith.constant 1 : i32
      %sub3A_556 = vector.broadcast %sub3A_555 : i32 to vector<16xi32>
      %sub3A_557 = arith.subi %add3A_554, %sub3A_556 : vector<16xi32>
      %add3A_558 = arith.constant 480 : i32
      %add3A_559 = vector.broadcast %add3A_558 : i32 to vector<16xi32>
      %add3A_560 = arith.addi %iota3A, %add3A_559 : vector<16xi32>
      tpu.vector_store_idx %arg6[%sub3A_557], %add3A_560 masked %ne3A_549 : memref<224xi32, #tpu.memory_space<vmem>>[vector<16xi32>], vector<16xi32>, vector<16xi1>
      %all_reduce_population_count3A_561 = tpu.all_reduce %ne3A_549 {dim = 0 : i64, kind = #tpu.reduction_kind<sum>} : vector<16xi1> -> vector<16xi32>
      %add3A_562 = arith.addi %add3A_544, %all_reduce_population_count3A_561 : vector<16xi32>
      %get3A_563 = arith.constant 496 : index
      %get3A_564 = tpu.vector_load %arg5[%get3A_563] {strides = array<i32>} : memref<512xf32, #tpu.memory_space<vmem>>, vector<16xf32>,
      %ne3A_565 = arith.constant 0.000000e+00 : f32
      %ne3A_566 = vector.broadcast %ne3A_565 : f32 to vector<16xf32>
      %ne3A_567 = arith.cmpf one, %get3A_564, %ne3A_566 : vector<16xf32>
      %convert_element_type3A_568 = arith.extui %ne3A_567 : vector<16xi1> to vector<16xi32>
      %broadcast_in_dim3A_569 = arith.constant true
      %broadcast_in_dim3A_570 = vector.broadcast %broadcast_in_dim3A_569 : i1 to vector<16xi1>
      %masked_cumsum3A_571 = tpu.scan <sum>, %convert_element_type3A_568 masked %broadcast_in_dim3A_570 : vector<16xi32>, vector<16xi1> -> vector<16xi32>
      %add3A_572 = arith.addi %masked_cumsum3A_571, %add3A_562 : vector<16xi32>
      %sub3A_573 = arith.constant 1 : i32
      %sub3A_574 = vector.broadcast %sub3A_573 : i32 to vector<16xi32>
      %sub3A_575 = arith.subi %add3A_572, %sub3A_574 : vector<16xi32>
      %add3A_576 = arith.constant 496 : i32
      %add3A_577 = vector.broadcast %add3A_576 : i32 to vector<16xi32>
      %add3A_578 = arith.addi %iota3A, %add3A_577 : vector<16xi32>
      tpu.vector_store_idx %arg6[%sub3A_575], %add3A_578 masked %ne3A_567 : memref<224xi32, #tpu.memory_space<vmem>>[vector<16xi32>], vector<16xi32>, vector<16xi1>
      %all_reduce_population_count3A_579 = tpu.all_reduce %ne3A_567 {dim = 0 : i64, kind = #tpu.reduction_kind<sum>} : vector<16xi1> -> vector<16xi32>
      %add3A_580 = arith.addi %add3A_562, %all_reduce_population_count3A_579 : vector<16xi32>
      %dma_start3A = arith.constant 0 : i32
      %dma_start3A_581 = arith.constant 0 : i32
      %dma_start3A_582 = tpu.memref_slice %arg7[%dma_start3A, %dma_start3A_581] : memref<224x288xf32, #tpu.memory_space<vmem>> -> memref<112x288xf32, #tpu.memory_space<vmem>>
      %dma_start3A_583 = arith.constant 0 : i32
      %dma_start3A_584 = tpu.memref_slice %arg6[%dma_start3A_583] : memref<224xi32, #tpu.memory_space<vmem>> -> memref<112xi32, #tpu.memory_space<vmem>>
      %dma_start3A_585 = arith.constant 0 : i32
      %dma_start3A_586 = arith.constant 0 : i32
      %dma_start3A_587 = tpu.memref_slice %arg3[%dma_start3A_585, %dma_start3A_586] : memref<512x288xf32, #tpu.memory_space<hbm>> -> memref<512x288xf32, #tpu.memory_space<hbm>>
      tpu.enqueue_indirect_dma source(%dma_start3A_587 : memref<512x288xf32, #tpu.memory_space<hbm>>) target(%dma_start3A_582 : memref<112x288xf32, #tpu.memory_space<vmem>>) offsets(%dma_start3A_584 : memref<112xi32, #tpu.memory_space<vmem>>) semaphore(%arg8 : memref<!tpu.dma_semaphore, #tpu.memory_space<semaphore_mem>>)
      %dma_start3A_588 = arith.constant 112 : i32
      %dma_start3A_589 = arith.constant 0 : i32
      %dma_start3A_590 = tpu.memref_slice %arg7[%dma_start3A_588, %dma_start3A_589] : memref<224x288xf32, #tpu.memory_space<vmem>> -> memref<112x288xf32, #tpu.memory_space<vmem>>
      %dma_start3A_591 = arith.constant 112 : i32
      %dma_start3A_592 = tpu.memref_slice %arg6[%dma_start3A_591] : memref<224xi32, #tpu.memory_space<vmem>> -> memref<112xi32, #tpu.memory_space<vmem>>
      %dma_start3A_593 = arith.constant 0 : i32
      %dma_start3A_594 = arith.constant 0 : i32
      %dma_start3A_595 = tpu.memref_slice %arg3[%dma_start3A_593, %dma_start3A_594] : memref<512x288xf32, #tpu.memory_space<hbm>> -> memref<512x288xf32, #tpu.memory_space<hbm>>
      tpu.enqueue_indirect_dma source(%dma_start3A_595 : memref<512x288xf32, #tpu.memory_space<hbm>>) target(%dma_start3A_590 : memref<112x288xf32, #tpu.memory_space<vmem>>) offsets(%dma_start3A_592 : memref<112xi32, #tpu.memory_space<vmem>>) semaphore(%arg8 : memref<!tpu.dma_semaphore, #tpu.memory_space<semaphore_mem>>)
      %dma_wait3A = arith.constant 0 : i32
      %dma_wait3A_596 = arith.constant 0 : i32
      %dma_wait3A_597 = tpu.memref_slice %arg7[%dma_wait3A, %dma_wait3A_596] : memref<224x288xf32, #tpu.memory_space<vmem>> -> memref<112x288xf32, #tpu.memory_space<vmem>>
      %dma_wait3A_598 = arith.constant 0 : i32
      %dma_wait3A_599 = tpu.memref_slice %arg6[%dma_wait3A_598] : memref<224xi32, #tpu.memory_space<vmem>> -> memref<112xi32, #tpu.memory_space<vmem>>
      %dma_wait3A_600 = arith.constant 0 : i32
      %dma_wait3A_601 = arith.constant 0 : i32
      %dma_wait3A_602 = tpu.memref_slice %arg3[%dma_wait3A_600, %dma_wait3A_601] : memref<512x288xf32, #tpu.memory_space<hbm>> -> memref<512x288xf32, #tpu.memory_space<hbm>>
      tpu.wait_indirect_dma semaphore(%arg8 : memref<!tpu.dma_semaphore, #tpu.memory_space<semaphore_mem>>) src(%dma_wait3A_602 : memref<512x288xf32, #tpu.memory_space<hbm>>) dst(%dma_wait3A_597 : memref<112x288xf32, #tpu.memory_space<vmem>>)
      %dma_wait3A_603 = arith.constant 112 : i32
      %dma_wait3A_604 = arith.constant 0 : i32
      %dma_wait3A_605 = tpu.memref_slice %arg7[%dma_wait3A_603, %dma_wait3A_604] : memref<224x288xf32, #tpu.memory_space<vmem>> -> memref<112x288xf32, #tpu.memory_space<vmem>>
      %dma_wait3A_606 = arith.constant 112 : i32
      %dma_wait3A_607 = tpu.memref_slice %arg6[%dma_wait3A_606] : memref<224xi32, #tpu.memory_space<vmem>> -> memref<112xi32, #tpu.memory_space<vmem>>
      %dma_wait3A_608 = arith.constant 0 : i32
      %dma_wait3A_609 = arith.constant 0 : i32
      %dma_wait3A_610 = tpu.memref_slice %arg3[%dma_wait3A_608, %dma_wait3A_609] : memref<512x288xf32, #tpu.memory_space<hbm>> -> memref<512x288xf32, #tpu.memory_space<hbm>>
      tpu.wait_indirect_dma semaphore(%arg8 : memref<!tpu.dma_semaphore, #tpu.memory_space<semaphore_mem>>) src(%dma_wait3A_610 : memref<512x288xf32, #tpu.memory_space<hbm>>) dst(%dma_wait3A_605 : memref<112x288xf32, #tpu.memory_space<vmem>>)
      "tpu.region"() ({
        %run_scoped3A = tpu.sem_alloc : memref<!tpu.dma_semaphore, #tpu.memory_space<semaphore_mem>>
        %dma_start3A_611 = arith.constant 0 : i32
        %dma_start3A_612 = arith.constant 0 : i32
        %dma_start3A_613 = tpu.memref_slice %arg4[%add3A_9, %dma_start3A_611, %dma_start3A_612] : memref<512x224x288xf32, #tpu.memory_space<hbm>> -> memref<1x224x288xf32, #tpu.memory_space<hbm>>
        %dma_start3A_614 = tpu.memref_squeeze %dma_start3A_613 : memref<1x224x288xf32, #tpu.memory_space<hbm>> -> memref<224x288xf32, #tpu.memory_space<hbm>>
        %dma_start3A_615 = arith.constant 0 : i32
        %dma_start3A_616 = arith.constant 0 : i32
        %dma_start3A_617 = tpu.memref_slice %arg4[%add3A_9, %dma_start3A_615, %dma_start3A_616] : memref<512x224x288xf32, #tpu.memory_space<hbm>> -> memref<1x224x288xf32, #tpu.memory_space<hbm>>
        %dma_start3A_618 = tpu.memref_squeeze %dma_start3A_617 : memref<1x224x288xf32, #tpu.memory_space<hbm>> -> memref<224x288xf32, #tpu.memory_space<hbm>>
        tpu.enqueue_dma source(%arg7 : memref<224x288xf32, #tpu.memory_space<vmem>>) target(%dma_start3A_618 : memref<224x288xf32, #tpu.memory_space<hbm>>) target_semaphore(%run_scoped3A : memref<!tpu.dma_semaphore, #tpu.memory_space<semaphore_mem>>)
        %dma_wait3A_619 = arith.constant 0 : i32
        %dma_wait3A_620 = arith.constant 0 : i32
        %dma_wait3A_621 = tpu.memref_slice %arg4[%add3A_9, %dma_wait3A_619, %dma_wait3A_620] : memref<512x224x288xf32, #tpu.memory_space<hbm>> -> memref<1x224x288xf32, #tpu.memory_space<hbm>>
        %dma_wait3A_622 = tpu.memref_squeeze %dma_wait3A_621 : memref<1x224x288xf32, #tpu.memory_space<hbm>> -> memref<224x288xf32, #tpu.memory_space<hbm>>
        %dma_wait3A_623 = arith.constant 0 : i32
        %dma_wait3A_624 = arith.constant 0 : i32
        %dma_wait3A_625 = tpu.memref_slice %arg4[%add3A_9, %dma_wait3A_623, %dma_wait3A_624] : memref<512x224x288xf32, #tpu.memory_space<hbm>> -> memref<1x224x288xf32, #tpu.memory_space<hbm>>
        %dma_wait3A_626 = tpu.memref_squeeze %dma_wait3A_625 : memref<1x224x288xf32, #tpu.memory_space<hbm>> -> memref<224x288xf32, #tpu.memory_space<hbm>>
        tpu.wait_dma2 semaphore(%run_scoped3A : memref<!tpu.dma_semaphore, #tpu.memory_space<semaphore_mem>>) src(%arg7 : memref<224x288xf32, #tpu.memory_space<vmem>>) dst(%dma_wait3A_626 : memref<224x288xf32, #tpu.memory_space<hbm>>)
        tpu.yield
      }) : () -> ()
    }
    %scan3A_7 = arith.constant 16 : i32
    return
  }
}

</mosaic_0001>

<sc_bundles>
// kernel: kernel.3.cloned.1.call-start
scs
__scs_entry_jumppad:
0x0: {  	(pc) =	sbr.rel $0x88, $3  }
0x1: {  	(tag) =	ssettag $0x0;
	lr =	simm.s32 $0x1  }
0x2: {  	[smem:$0x3F9E] =	sst lr;
	_ =	strace $0xD0000000  }
0x3: {  	_ = 	snop  }
0x4: {  	_ = 	snop  }
0x5: {  	_ = 	snop  }
0x6: {  	_ = 	snop  }
0x7: {  	_ = 	snop  }
__scs_overlays_trampoline_lowered:
0x8: {  	[smem:$0x3FAD] =	sst s0  }
0x9: {  	[smem:$0x3FAE] =	sst s1  }
0xa: {  	[smem:$0x3FAF] =	sst s2  }
0xb: {  	[smem:$0x3FB0] =	sst s3  }
0xc: {  	[smem:$0x3FB1] =	sst s4  }
0xd: {  	[smem:$0x3FB2] =	sst s5  }
0xe: {  	[smem:$0x3FB3] =	sst s6  }
0xf: {  	[smem:$0x3FB4] =	sst s7  }
0x10: {  	[smem:$0x3FB5] =	sst s8  }
0x11: {  	[smem:$0x3FB6] =	sst s9;
	s0 =	simm.s32 @!p0 $0x0  }
0x12: {  	s1 =	sld [smem:$0x3F9C];
	s0 =	simm.s32 @p0 $0x1  }
0x13: {  	[smem:$0x3FB7] =	sst s0;
	s0 =	simm.s32 @!p1 $0x0  }
0x14: {  	s2 =	sld [smem:$0x3F9B];
	s0 =	simm.s32 @p1 $0x1  }
0x15: {  	[smem:$0x3FB8] =	sst s0;
	s0 =	simm.s32 @!p2 $0x0  }
0x16: {  	s3 =	sld [smem:$0x3FDB];
	s0 =	simm.s32 @p2 $0x1  }
0x17: {  	s4 =	simm.s32 $0x1BF5;
	[smem:$0x3FBA] =	sst s0  }
0x18: {  	s0 =	sld [smem:$0x3F9D];
	_ =	swait.ge [sflag:s4], $0x0  }
0x19: {  	s7 =	sld [smem:$0x3F9E]  }
0x1a: {  	s8 =	sadd.s32 $0xFFFFE003, lr  }
0x1b: {  	s9 =	sadd.s32 $0xFFFFFEF7, lr;
	s5 =	simm.s32 $0xFFFFFFFF;
	p2 =	slt.u32 s8, $0xFFFFF086  }
0x1c: {  	p1 =	slt.u32 s9, $0xF7A;
	s5 =	simm.s32 @!p2 $0x0  }
0x1d: {  	s5 =	simm.s32 @p1 $0x1;
	p0 =	seq.s32 s7, s2  }
0x1e: {  	s7 =	smul.u32 @!p0 $0xF7A, s2;
	p2 =	seq.s32 @!p0 s5, $0x0  }
0x1f: {  	s9 =	smul.u32 $0xF7A, s1;
	s8 =	simm.s32 @!p0 $0x1BF5;
	p2 =	por !p2, p0  }
0x20: {  	[sflag:s8] =	ssyncset.s32 @!p0 $0xFFFFF086;
	s6 =	sadd.s32 @!p0 s3, s7;
	s7 =	simm.s32 @!p0 $0x108  }
0x21: {  	s3 =	sadd.s32 s3, s9;
	s6 =	sadd.s32 @!p0 $0x88, s6;
	s7 =	simm.s32 @p2 $0x1082  }
0x22: {  	[simem:s7], [sflag:s8] =	dma.local @!p0 [hbm:s6], $0xF7A  }
0x23: {  	s9 =	sor.u32 $0xD0000000, s2;
	s6 =	simm.s32 $0x108;
	_ =	swait.ge @!p0 [sflag:s8], $0x0  }
0x24: {  	s3 =	sadd.s32 $0x88, s3;
	s6 =	simm.s32 @!p1 $0x1082;
	[sflag:s4] =	ssyncset.s32 $0xFFFFF086  }
0x25: {  	[simem:s6], [sflag:s4] =	dma.local [hbm:s3], $0xF7A  }
0x26: {  	[smem:$0x3F9E] =	sst s1;
	(tag) =	ssettag s2;
	_ =	strace s9  }
0x27: {  	s1 =	sld [smem:$0x3FAE]  }
0x28: {  	s2 =	sld [smem:$0x3FAF]  }
0x29: {  	s4 =	sld [smem:$0x3FB1]  }
0x2a: {  	p0 =	seq.s32 s5, $0x0;
	s5 =	sld [smem:$0x3FB2]  }
0x2b: {  	s6 =	sld [smem:$0x3FB3]  }
0x2c: {  	s7 =	sld [smem:$0x3FB4]  }
0x2d: {  	s3 =	simm.s32 $0x108;
	s8 =	sld [smem:$0x3FB5]  }
0x2e: {  	s3 =	simm.s32 @!p0 $0x1082;
	s9 =	sld [smem:$0x3FB6]  }
0x2f: {  	lr =	sadd.s32 s0, s3;
	s0 =	sld [smem:$0x3FAD]  }
0x30: {  	s3 =	sld [smem:$0x3FB0]  }
0x31: {  	[smem:$0x3FB9] =	sst s10  }
0x32: {  	s10 =	sld [smem:$0x3FB7];
	_ =	sdelay $0x3  }
0x33: {  	p0 =	seq.s32 s10, $0x1;
	s10 =	sld [smem:$0x3FB9];
	_ =	sdelay $0x3  }
0x34: {  	[smem:$0x3FB9] =	sst s10  }
0x35: {  	s10 =	sld [smem:$0x3FB8];
	_ =	sdelay $0x3  }
0x36: {  	p1 =	seq.s32 s10, $0x1;
	s10 =	sld [smem:$0x3FB9];
	_ =	sdelay $0x3  }
0x37: {  	[smem:$0x3FB9] =	sst s10  }
0x38: {  	s10 =	sld [smem:$0x3FBA]  }
0x39: {  	_ = 	snop;
	(pc) =	sbr.ind lr, $3  }
0x3a: {  	_ = 	snop  }
0x3b: {  	_ = 	snop  }
0x3c: {  	p2 =	seq.s32 s10, $0x1;
	s10 =	sld [smem:$0x3FB9]  }
0x3d: {  	_ =	shalt  }
0x3e: {  	_ =	shalt  }
0x3f: {  	_ =	shalt  }
0x40: {  	_ =	shalt  }
0x41: {  	_ =	shalt  }
0x42: {  	_ =	shalt  }
0x43: {  	_ =	shalt  }
0x44: {  	_ =	shalt  }
0x45: {  	_ =	shalt  }
0x46: {  	_ =	shalt  }
0x47: {  	_ =	shalt  }
0x48: {  	_ =	shalt  }
0x49: {  	_ =	shalt  }
0x4a: {  	_ =	shalt  }
0x4b: {  	_ =	shalt  }
0x4c: {  	_ =	shalt  }
0x4d: {  	_ =	shalt  }
0x4e: {  	_ =	shalt  }
0x4f: {  	_ =	shalt  }
0x50: {  	_ =	shalt  }
0x51: {  	_ =	shalt  }
0x52: {  	_ =	shalt  }
0x53: {  	_ =	shalt  }
0x54: {  	_ =	shalt  }
0x55: {  	_ =	shalt  }
0x56: {  	_ =	shalt  }
0x57: {  	_ =	shalt  }
0x58: {  	_ =	shalt  }
0x59: {  	_ =	shalt  }
0x5a: {  	_ =	shalt  }
0x5b: {  	_ =	shalt  }
0x5c: {  	_ =	shalt  }
0x5d: {  	_ =	shalt  }
0x5e: {  	_ =	shalt  }
0x5f: {  	_ =	shalt  }
0x60: {  	_ =	shalt  }
0x61: {  	_ =	shalt  }
0x62: {  	_ =	shalt  }
0x63: {  	_ =	shalt  }
0x64: {  	_ =	shalt  }
0x65: {  	_ =	shalt  }
0x66: {  	_ =	shalt  }
0x67: {  	_ =	shalt  }
0x68: {  	_ =	shalt  }
0x69: {  	_ =	shalt  }
0x6a: {  	_ =	shalt  }
0x6b: {  	_ =	shalt  }
0x6c: {  	_ =	shalt  }
0x6d: {  	_ =	shalt  }
0x6e: {  	_ =	shalt  }
0x6f: {  	_ =	shalt  }
0x70: {  	_ =	shalt  }
0x71: {  	_ =	shalt  }
0x72: {  	_ =	shalt  }
0x73: {  	_ =	shalt  }
0x74: {  	_ =	shalt  }
0x75: {  	_ =	shalt  }
0x76: {  	_ =	shalt  }
0x77: {  	_ =	shalt  }
0x78: {  	_ =	shalt  }
0x79: {  	_ =	shalt  }
0x7a: {  	_ =	shalt  }
0x7b: {  	_ =	shalt  }
0x7c: {  	_ =	shalt  }
0x7d: {  	_ =	shalt  }
0x7e: {  	_ =	shalt  }
0x7f: {  	_ =	shalt  }
0x80: {  	_ =	shalt  }
0x81: {  	_ =	shalt  }
0x82: {  	_ =	shalt  }
0x83: {  	_ =	shalt  }
0x84: {  	_ =	shalt  }
0x85: {  	_ =	shalt  }
0x86: {  	_ =	shalt  }
0x87: {  	_ =	shalt  }
.Lfunc_end0:
.L_simem_size_0:
called_computation.1_lowered:
.L_overlay_start_0:
0x88: {  	s2 =	sld [smem:$0x3FD9]  }
0x89: {  	s3 =	sld [smem:$0x3FFE];
	_ =	sdelay $0x1  }
0x8a: {  	s1 =	srdreg.scid  }
0x8b: {  	s0 =	sand.u32 $0x1, s1  }
0x8c: {  	s17 =	sshll.u32 s0, $0xA;
	s2 =	sadd.s32 s3, s2  }
0x8d: {  	s2 =	sadd.s32 s2, s17  }
0x8e: {  	[smem:$0x3FC5] =	sst s2  }
0x8f: {  	_ = 	snop  }
0x90: {  	s2 =	sld [smem:$0x3FD0];
	(tm) =	ssettm $0x1  }
0x91: {  	s18 =	sld [smem:$0x3FFB];
	_ =	sdelay $0x3  }
0x92: {  	_ =	strace s18  }
0x93: {  	s3 =	sld [smem:$0x3FFC];
	_ =	sdelay $0x3  }
0x94: {  	_ =	strace s3  }
0x95: {  	s3 =	sld [smem:$0x3FFD];
	_ =	sdelay $0x3  }
0x96: {  	_ =	strace s3  }
0x97: {  	_ =	strace $0x8FFFFFFF  }
0x98: {  	s19 =	sld [smem:$0x3FDB];
	_ =	sdelay $0x1  }
0x99: {  	s4 =	simm.s32 $_scs_section_size  }
0x9a: {  	s5 =	simm.s32 $_size__tile_overlayer_lowered;
	s6 =	simm.s32 $_tile_overlayer_lowered  }
0x9b: {  	s22 =	simm.s32 $0x1BFF;
	s21 =	sshll.u32 s6, $0x1;
	s3 =	sadd.s32 s4, s19  }
0x9c: {  	s7 =	simm.s32 $0x0;
	s20 =	sshll.u32 s5, $0x1;
	s5 =	sadd.s32 s21, s3  }
0x9d: {  	[timem:s7], [sflag:s22] =	dma.local [hbm:s5], s20  }
0x9e: {  	_ =	swait.ge [sflag:s22], s20  }
0x9f: {  	s4 =	ssub.s32 $0x0, s20;
	[sflag:s22] =	ssyncset.done $0x0  }
0xa0: {  	[sflag:s22] =	ssyncadd.s32 s4;
	_ =	sdelay $0x1  }
0xa1: {  	s23 =	simm.s32 $0x1B8B  }
0xa2: {  	_ =	swait.ge [sflag:s23], $0x1  }
0xa3: {  	[sflag:s23] =	ssyncset.done $0x0  }
0xa4: {  	s25 =	simm.s32 $0x1B8E;
	s24 =	sld [smem:$0x3FFE];
	[sflag:s23] =	ssyncadd.s32 $0xFFFFFFFF  }
0xa5: {  	s26 =	simm.s32 $execute0_lowered;
	[smem:$0x3FD2] =	sst s25  }
0xa6: {  	s5 =	sshll.u32 s26, $0x1;
	_ =	strace $0x80000046;
	[dreg:$0x1] =	wrdreg $0xFFFFFFFF  }
0xa7: {  	s28 =	simm.s32 $_size_execute0_lowered;
	s3 =	sadd.s32 s3, s5;
	[dreg:$0x0] =	wrdreg $0x0  }
0xa8: {  	s5 =	sshll.u32 s28, $0x1;
	[dreg:$0x2] =	wrdreg s3  }
0xa9: {  	[dreg:$0x3] =	wrdreg s5  }
0xaa: {  	[dreg:$0x4] =	wrdreg $0xC0  }
0xab: {  	_ =	task [dreg:s7], $0x5FFFF  }
0xac: {  	[dreg:$0x1] =	wrdreg $0xFFFFFFFF  }
0xad: {  	[dreg:$0x0] =	wrdreg $0x60  }
0xae: {  	[dreg:$0x2] =	wrdreg s24  }
0xaf: {  	[dreg:$0x3] =	wrdreg s2  }
0xb0: {  	[dreg:$0x4] =	wrdreg $0x9  }
0xb1: {  	_ =	task.clear_ibuf [dreg:s7], $0x5FFFF;
	_ =	strace $0x90000046  }
0xb2: {  	s29 =	simm.s32 $0x9;
	_ =	strace $0x80000048  }
0xb3: {  	_ =	swait.ge [sflag:s29], $0x1  }
0xb4: {  	[sflag:s29] =	ssyncadd.s32 $0xFFFFFFFF  }
0xb5: {  	_ =	strace $0x90000048  }
0xb6: {  	_ =	sfence  }
0xb7: {  	s30 =	sld [smem:$0x0];
	_ =	sdelay $0x2  }
0xb8: {  	s31 =	sshll.u32 s1, $0xD;
	s1 =	sshrl.u32 s1, $0x2  }
0xb9: {  	s3 =	sand.u32 $0x4000, s31;
	s1 =	sadd.s32 s1, s30  }
0xba: {  	s0 =	sor.u32 s3, s0;
	s1 =	sshll.u32 s1, $0x11  }
0xbb: {  	s0 =	sor.u32 s1, s0  }
0xbc: {  	s0 =	sadd.s32 $0x8F2B, s0  }
0xbd: {  	[sflag:s0] =	ssyncadd.remote.s32 $0x1  }
0xbe: {  	_ =	sfence.sel $0xFFFF  }
0xbf: {  	[dreg:$0x0] =	wrdreg $0xFFFFFFFF;
	(pc) =	sbr.abs _section_cstart, $3  }
0xc0: {  	[dreg:$0x1] =	wrdreg $0xFFFFFFFF  }
0xc1: {  	_ =	task.clear_ibuf [dreg:s7], $0x2FFFF;
	_ =	strace $0x9FFFFFFF  }
0xc2: {  	(tm) =	ssettm $0x7FFFFFFF  }
0xc3: {  	_ =	shalt  }
tec
execute0_lowered:
.L_overlay_start_1:
0x0: {  	(tag) =	ssettag $0x1  }
0x1: {  	s3 =	rddreg [dreg:$0x0];
	v0 =	vlaneseq.u32  }
0x2: {  	s6 =	rddreg [dreg:$0x1];
	v1 =	vimm.s32 $0x0;
	v2 =	vor.u32 $0x10, v0  }
0x3: {  	s0 =	rddreg [dreg:$0x2];
	s1 =	simm.s32 $0x0;
	v3 =	vor.u32 $0x20, v0;
	v4 =	vor.u32 $0x30, v0;
	v5 =	vor.u32 $0x40, v0  }
0x4: {  	s2 =	stileid.u32;
	s4 =	srdreg.scid;
	s11 =	simm.s32 $0x270;
	v6 =	vor.u32 $0x50, v0;
	v7 =	vor.u32 $0x60, v0;
	v8 =	vor.u32 $0x70, v0  }
0x5: {  	s12 =	simm.s32 $0x80E0;
	s13 =	simm.s32 $0x1;
	s14 =	simm.s32 $0x0;
	v9 =	vor.u32 $0x80, v0;
	v10 =	vor.u32 $0x90, v0;
	v11 =	vor.u32 $0xA0, v0  }
0x6: {  	[smem:$0x7FF] =	sst s1;
	s5 =	sshll.u32 s2, $0xB;
	s4 =	sand.u32 $0x1, s4;
	v12 =	vor.u32 $0xB0, v0;
	v13 =	vor.u32 $0xC0, v0;
	v14 =	vor.u32 $0xD0, v0  }
0x7: {  	s10 =	smul.u32 $0x3F000, s2;
	v15 =	vor.u32 $0xE0, v0;
	v16 =	vor.u32 $0xF0, v0;
	v17 =	vor.u32 $0x100, v0;
	_ =	strace $0x80000047;
	s5 =	sadd.s32 s5, s3  }
0x8: {  	v18 =	vor.u32 $0x110, v0;
	v19 =	vor.u32 $0x120, v0;
	v20 =	vor.u32 $0x130, v0;
	s3 =	sadd.s32 $0x800, s3;
	s7 =	ssub.s32 $0x2, s4;
	s9 =	sshll.u32 s4, $0xA  }
0x9: {  	v21 =	vor.u32 $0x140, v0;
	v22 =	vor.u32 $0x150, v0;
	v23 =	vor.u32 $0x160, v0;
	s31 =	smul.u32 $0x1F800, s4;
	s8 =	sshrl.u32 s7, $0x1;
	s5 =	sadd.s32 s9, s5  }
0xa: {  	v24 =	vor.u32 $0x170, v0;
	v25 =	vor.u32 $0x180, v0;
	v26 =	vor.u32 $0x190, v0;
	s6 =	sadd.s32 s10, s6;
	s9 =	simm.s32 $0x70;
	s10 =	simm.s32 $0x2E0  }
0xb: {  	v27 =	vor.u32 $0x1A0, v0;
	v28 =	vor.u32 $0x1B0, v0;
	v29 =	vor.u32 $0x1C0, v0;
	s7 =	ssub.s32 s7, s8;
	s5 =	sadd.s32 $0x5000, s5;
	s6 =	sadd.s32 s31, s6  }
0xc: {  	v30 =	vor.u32 $0x1D0, v0;
	v31 =	vor.u32 $0x1E0, v0;
	v32 =	vor.u32 $0x1F0, v0;
	s8 =	simm.s32 $0x200;
	s4 =	smax.u32 s7, $0x1;
	s7 =	simm.s32 $0x2  }
.LBB2_1:
0xd: {  	s15 =	smov.u32 s6;
	s16 =	simm.s32 $0x0  }
.LBB2_2:
0xe: {  	s17 =	sadd.s32 s16, s5  }
0xf: {  	[tilespmem:s1], [sflag:$0x2] =	stream.linear.gather [hbm4b:s17+s1], $0x200, $0x38;
	[tilespmem:$0xFEE0] =	vst v63  }
0x10: {  	_ =	swait.ge [sflag:s7], $0x200  }
0x11: {  	[sflag:s7] =	ssyncset.done $0x0  }
0x12: {  	[sflag:s7] =	ssyncadd.s32 $0xFFFFFE00  }
0x13: {  	v33 =	vld [tilespmem:$0x0];
	_ =	sdelay $0x4  }
0x14: {  	vm0 =	vlt.f32 v33, $0.0e+00;
	vm1 =	vgt.f32 v33, $0.0e+00  }
0x15: {  	vm0 =	vmor vm1, vm0  }
0x16: {  	v56 =	vsel vm0, $0x1, v1  }
0x17: {  	(xrf0) =	vadd.scan.msk.s32 $0xffff, v56;
	_ =	sdelay $0x5  }
0x18: {  	v33, _, _ =	vpop (xrf0)  }
0x19: {  	v33 =	vadd.s32 $0xFFFFFFFF, v33;
	_ =	sdelay $0x4  }
0x1a: {  	[tilespmem:v33+s8+$0x0] =	vst.idx.msk vm0, v0  }
0x1b: {  	v33 =	vld [tilespmem:$0x10];
	_ =	sdelay $0x4  }
0x1c: {  	vm15 =	vlt.f32 v33, $0.0e+00;
	vm2 =	vgt.f32 v33, $0.0e+00  }
0x1d: {  	vm1 =	vmor vm2, vm15  }
0x1e: {  	v57 =	vsel vm1, $0x1, v1  }
0x1f: {  	(xrf0) =	vadd.scan.msk.s32 $0xffff, v57;
	_ =	sdelay $0x3  }
0x20: {  	v58 =	vmpcnt.ones.xlane vm0;
	_ =	sdelay $0x1  }
0x21: {  	v33 =	vadd.s32 $0xFFFFFFFF, v58;
	v34, _, _ =	vpop (xrf0)  }
0x22: {  	v34 =	vadd.s32 v34, v33;
	_ =	sdelay $0x4  }
0x23: {  	[tilespmem:v34+s8+$0x0] =	vst.idx.msk vm1, v2  }
0x24: {  	v34 =	vld [tilespmem:$0x20];
	_ =	sdelay $0x4  }
0x25: {  	vm4 =	vlt.f32 v34, $0.0e+00;
	vm5 =	vgt.f32 v34, $0.0e+00  }
0x26: {  	vm0 =	vmor vm5, vm4  }
0x27: {  	v59 =	vsel vm0, $0x1, v1  }
0x28: {  	(xrf0) =	vadd.scan.msk.s32 $0xffff, v59;
	_ =	sdelay $0x3  }
0x29: {  	v60 =	vmpcnt.ones.xlane vm1;
	_ =	sdelay $0x1  }
0x2a: {  	v33 =	vadd.s32 v60, v33;
	v35, _, _ =	vpop (xrf0)  }
0x2b: {  	v34 =	vadd.s32 v35, v33;
	_ =	sdelay $0x4  }
0x2c: {  	[tilespmem:v34+s8+$0x0] =	vst.idx.msk vm0, v3  }
0x2d: {  	v34 =	vld [tilespmem:$0x30];
	_ =	sdelay $0x4  }
0x2e: {  	vm6 =	vlt.f32 v34, $0.0e+00;
	vm7 =	vgt.f32 v34, $0.0e+00  }
0x2f: {  	vm1 =	vmor vm7, vm6  }
0x30: {  	v61 =	vsel vm1, $0x1, v1  }
0x31: {  	(xrf0) =	vadd.scan.msk.s32 $0xffff, v61;
	_ =	sdelay $0x3  }
0x32: {  	v62 =	vmpcnt.ones.xlane vm0;
	_ =	sdelay $0x1  }
0x33: {  	v33 =	vadd.s32 v62, v33;
	v63, _, _ =	vpop (xrf0)  }
0x34: {  	v34 =	vadd.s32 v63, v33;
	_ =	sdelay $0x4  }
0x35: {  	[tilespmem:v34+s8+$0x0] =	vst.idx.msk vm1, v4  }
0x36: {  	v34 =	vld [tilespmem:$0x40];
	_ =	sdelay $0x4  }
0x37: {  	vm8 =	vlt.f32 v34, $0.0e+00;
	vm9 =	vgt.f32 v34, $0.0e+00  }
0x38: {  	vm0 =	vmor vm9, vm8  }
0x39: {  	v36 =	vsel vm0, $0x1, v1  }
0x3a: {  	(xrf0) =	vadd.scan.msk.s32 $0xffff, v36;
	_ =	sdelay $0x3  }
0x3b: {  	v37 =	vmpcnt.ones.xlane vm1;
	_ =	sdelay $0x1  }
0x3c: {  	v33 =	vadd.s32 v37, v33;
	v38, _, _ =	vpop (xrf0)  }
0x3d: {  	v34 =	vadd.s32 v38, v33;
	_ =	sdelay $0x4  }
0x3e: {  	[tilespmem:v34+s8+$0x0] =	vst.idx.msk vm0, v5  }
0x3f: {  	v34 =	vld [tilespmem:$0x50];
	_ =	sdelay $0x4  }
0x40: {  	vm10 =	vlt.f32 v34, $0.0e+00;
	vm11 =	vgt.f32 v34, $0.0e+00  }
0x41: {  	vm1 =	vmor vm11, vm10  }
0x42: {  	v39 =	vsel vm1, $0x1, v1  }
0x43: {  	(xrf0) =	vadd.scan.msk.s32 $0xffff, v39;
	_ =	sdelay $0x3  }
0x44: {  	v40 =	vmpcnt.ones.xlane vm0;
	_ =	sdelay $0x1  }
0x45: {  	v33 =	vadd.s32 v40, v33;
	v41, _, _ =	vpop (xrf0)  }
0x46: {  	v34 =	vadd.s32 v41, v33;
	_ =	sdelay $0x4  }
0x47: {  	[tilespmem:v34+s8+$0x0] =	vst.idx.msk vm1, v6  }
0x48: {  	v34 =	vld [tilespmem:$0x60];
	_ =	sdelay $0x4  }
0x49: {  	vm12 =	vlt.f32 v34, $0.0e+00;
	vm13 =	vgt.f32 v34, $0.0e+00  }
0x4a: {  	vm0 =	vmor vm13, vm12  }
0x4b: {  	v42 =	vsel vm0, $0x1, v1  }
0x4c: {  	(xrf0) =	vadd.scan.msk.s32 $0xffff, v42;
	_ =	sdelay $0x3  }
0x4d: {  	v43 =	vmpcnt.ones.xlane vm1;
	_ =	sdelay $0x1  }
0x4e: {  	v33 =	vadd.s32 v43, v33;
	v44, _, _ =	vpop (xrf0)  }
0x4f: {  	v34 =	vadd.s32 v44, v33;
	_ =	sdelay $0x4  }
0x50: {  	[tilespmem:v34+s8+$0x0] =	vst.idx.msk vm0, v7  }
0x51: {  	v34 =	vld [tilespmem:$0x70];
	_ =	sdelay $0x4  }
0x52: {  	vm14 =	vlt.f32 v34, $0.0e+00;
	vm15 =	vgt.f32 v34, $0.0e+00  }
0x53: {  	vm1 =	vmor vm15, vm14  }
0x54: {  	v45 =	vsel vm1, $0x1, v1  }
0x55: {  	(xrf0) =	vadd.scan.msk.s32 $0xffff, v45;
	_ =	sdelay $0x3  }
0x56: {  	v46 =	vmpcnt.ones.xlane vm0;
	_ =	sdelay $0x1  }
0x57: {  	v33 =	vadd.s32 v46, v33;
	v47, _, _ =	vpop (xrf0)  }
0x58: {  	v34 =	vadd.s32 v47, v33;
	_ =	sdelay $0x4  }
0x59: {  	[tilespmem:v34+s8+$0x0] =	vst.idx.msk vm1, v8  }
0x5a: {  	v34 =	vld [tilespmem:$0x80];
	_ =	sdelay $0x4  }
0x5b: {  	vm4 =	vlt.f32 v34, $0.0e+00;
	vm5 =	vgt.f32 v34, $0.0e+00  }
0x5c: {  	vm0 =	vmor vm5, vm4  }
0x5d: {  	v48 =	vsel vm0, $0x1, v1  }
0x5e: {  	(xrf0) =	vadd.scan.msk.s32 $0xffff, v48;
	_ =	sdelay $0x3  }
0x5f: {  	v49 =	vmpcnt.ones.xlane vm1;
	_ =	sdelay $0x1  }
0x60: {  	v33 =	vadd.s32 v49, v33;
	v50, _, _ =	vpop (xrf0)  }
0x61: {  	v34 =	vadd.s32 v50, v33;
	_ =	sdelay $0x4  }
0x62: {  	[tilespmem:v34+s8+$0x0] =	vst.idx.msk vm0, v9  }
0x63: {  	v34 =	vld [tilespmem:$0x90];
	_ =	sdelay $0x4  }
0x64: {  	vm6 =	vlt.f32 v34, $0.0e+00;
	vm7 =	vgt.f32 v34, $0.0e+00  }
0x65: {  	vm1 =	vmor vm7, vm6  }
0x66: {  	v51 =	vsel vm1, $0x1, v1  }
0x67: {  	(xrf0) =	vadd.scan.msk.s32 $0xffff, v51;
	_ =	sdelay $0x3  }
0x68: {  	v52 =	vmpcnt.ones.xlane vm0;
	_ =	sdelay $0x1  }
0x69: {  	v33 =	vadd.s32 v52, v33;
	v53, _, _ =	vpop (xrf0)  }
0x6a: {  	v34 =	vadd.s32 v53, v33;
	_ =	sdelay $0x4  }
0x6b: {  	[tilespmem:v34+s8+$0x0] =	vst.idx.msk vm1, v10  }
0x6c: {  	v34 =	vld [tilespmem:$0xA0];
	_ =	sdelay $0x4  }
0x6d: {  	vm8 =	vlt.f32 v34, $0.0e+00;
	vm9 =	vgt.f32 v34, $0.0e+00  }
0x6e: {  	vm0 =	vmor vm9, vm8  }
0x6f: {  	v54 =	vsel vm0, $0x1, v1  }
0x70: {  	(xrf0) =	vadd.scan.msk.s32 $0xffff, v54;
	_ =	sdelay $0x3  }
0x71: {  	v55 =	vmpcnt.ones.xlane vm1;
	_ =	sdelay $0x1  }
0x72: {  	v33 =	vadd.s32 v55, v33;
	v56, _, _ =	vpop (xrf0)  }
0x73: {  	v34 =	vadd.s32 v56, v33;
	_ =	sdelay $0x4  }
0x74: {  	[tilespmem:v34+s8+$0x0] =	vst.idx.msk vm0, v11  }
0x75: {  	v34 =	vld [tilespmem:$0xB0];
	_ =	sdelay $0x4  }
0x76: {  	vm10 =	vlt.f32 v34, $0.0e+00;
	vm11 =	vgt.f32 v34, $0.0e+00  }
0x77: {  	vm1 =	vmor vm11, vm10  }
0x78: {  	v57 =	vsel vm1, $0x1, v1  }
0x79: {  	(xrf0) =	vadd.scan.msk.s32 $0xffff, v57;
	_ =	sdelay $0x3  }
0x7a: {  	v58 =	vmpcnt.ones.xlane vm0;
	_ =	sdelay $0x1  }
0x7b: {  	v33 =	vadd.s32 v58, v33;
	v59, _, _ =	vpop (xrf0)  }
0x7c: {  	v34 =	vadd.s32 v59, v33;
	_ =	sdelay $0x4  }
0x7d: {  	[tilespmem:v34+s8+$0x0] =	vst.idx.msk vm1, v12  }
0x7e: {  	v34 =	vld [tilespmem:$0xC0];
	_ =	sdelay $0x4  }
0x7f: {  	vm12 =	vlt.f32 v34, $0.0e+00;
	vm13 =	vgt.f32 v34, $0.0e+00  }
0x80: {  	vm0 =	vmor vm13, vm12  }
0x81: {  	v60 =	vsel vm0, $0x1, v1  }
0x82: {  	(xrf0) =	vadd.scan.msk.s32 $0xffff, v60;
	_ =	sdelay $0x3  }
0x83: {  	v61 =	vmpcnt.ones.xlane vm1;
	_ =	sdelay $0x1  }
0x84: {  	v33 =	vadd.s32 v61, v33;
	v62, _, _ =	vpop (xrf0)  }
0x85: {  	v34 =	vadd.s32 v62, v33;
	_ =	sdelay $0x4  }
0x86: {  	[tilespmem:v34+s8+$0x0] =	vst.idx.msk vm0, v13  }
0x87: {  	v34 =	vld [tilespmem:$0xD0];
	_ =	sdelay $0x4  }
0x88: {  	vm14 =	vlt.f32 v34, $0.0e+00;
	vm15 =	vgt.f32 v34, $0.0e+00  }
0x89: {  	vm1 =	vmor vm15, vm14  }
0x8a: {  	v63 =	vsel vm1, $0x1, v1  }
0x8b: {  	(xrf0) =	vadd.scan.msk.s32 $0xffff, v63;
	_ =	sdelay $0x3  }
0x8c: {  	v36 =	vmpcnt.ones.xlane vm0;
	_ =	sdelay $0x1  }
0x8d: {  	v33 =	vadd.s32 v36, v33;
	v37, _, _ =	vpop (xrf0)  }
0x8e: {  	v34 =	vadd.s32 v37, v33;
	_ =	sdelay $0x4  }
0x8f: {  	[tilespmem:v34+s8+$0x0] =	vst.idx.msk vm1, v14  }
0x90: {  	v34 =	vld [tilespmem:$0xE0];
	_ =	sdelay $0x4  }
0x91: {  	vm4 =	vlt.f32 v34, $0.0e+00;
	vm5 =	vgt.f32 v34, $0.0e+00  }
0x92: {  	vm0 =	vmor vm5, vm4  }
0x93: {  	v38 =	vsel vm0, $0x1, v1  }
0x94: {  	(xrf0) =	vadd.scan.msk.s32 $0xffff, v38;
	_ =	sdelay $0x3  }
0x95: {  	v39 =	vmpcnt.ones.xlane vm1;
	_ =	sdelay $0x1  }
0x96: {  	v33 =	vadd.s32 v39, v33;
	v40, _, _ =	vpop (xrf0)  }
0x97: {  	v34 =	vadd.s32 v40, v33;
	_ =	sdelay $0x4  }
0x98: {  	[tilespmem:v34+s8+$0x0] =	vst.idx.msk vm0, v15  }
0x99: {  	v34 =	vld [tilespmem:$0xF0];
	_ =	sdelay $0x4  }
0x9a: {  	vm6 =	vlt.f32 v34, $0.0e+00;
	vm7 =	vgt.f32 v34, $0.0e+00  }
0x9b: {  	vm1 =	vmor vm7, vm6  }
0x9c: {  	v41 =	vsel vm1, $0x1, v1  }
0x9d: {  	(xrf0) =	vadd.scan.msk.s32 $0xffff, v41;
	_ =	sdelay $0x3  }
0x9e: {  	v42 =	vmpcnt.ones.xlane vm0;
	_ =	sdelay $0x1  }
0x9f: {  	v33 =	vadd.s32 v42, v33;
	v43, _, _ =	vpop (xrf0)  }
0xa0: {  	v34 =	vadd.s32 v43, v33;
	_ =	sdelay $0x4  }
0xa1: {  	[tilespmem:v34+s8+$0x0] =	vst.idx.msk vm1, v16  }
0xa2: {  	v34 =	vld [tilespmem:$0x100];
	_ =	sdelay $0x4  }
0xa3: {  	vm8 =	vlt.f32 v34, $0.0e+00;
	vm9 =	vgt.f32 v34, $0.0e+00  }
0xa4: {  	vm0 =	vmor vm9, vm8  }
0xa5: {  	v44 =	vsel vm0, $0x1, v1  }
0xa6: {  	(xrf0) =	vadd.scan.msk.s32 $0xffff, v44;
	_ =	sdelay $0x3  }
0xa7: {  	v45 =	vmpcnt.ones.xlane vm1;
	_ =	sdelay $0x1  }
0xa8: {  	v33 =	vadd.s32 v45, v33;
	v46, _, _ =	vpop (xrf0)  }
0xa9: {  	v34 =	vadd.s32 v46, v33;
	_ =	sdelay $0x4  }
0xaa: {  	[tilespmem:v34+s8+$0x0] =	vst.idx.msk vm0, v17  }
0xab: {  	v34 =	vld [tilespmem:$0x110];
	_ =	sdelay $0x4  }
0xac: {  	vm10 =	vlt.f32 v34, $0.0e+00;
	vm11 =	vgt.f32 v34, $0.0e+00  }
0xad: {  	vm1 =	vmor vm11, vm10  }
0xae: {  	v47 =	vsel vm1, $0x1, v1  }
0xaf: {  	(xrf0) =	vadd.scan.msk.s32 $0xffff, v47;
	_ =	sdelay $0x3  }
0xb0: {  	v48 =	vmpcnt.ones.xlane vm0;
	_ =	sdelay $0x1  }
0xb1: {  	v33 =	vadd.s32 v48, v33;
	v49, _, _ =	vpop (xrf0)  }
0xb2: {  	v34 =	vadd.s32 v49, v33;
	_ =	sdelay $0x4  }
0xb3: {  	[tilespmem:v34+s8+$0x0] =	vst.idx.msk vm1, v18  }
0xb4: {  	v34 =	vld [tilespmem:$0x120];
	_ =	sdelay $0x4  }
0xb5: {  	vm12 =	vlt.f32 v34, $0.0e+00;
	vm13 =	vgt.f32 v34, $0.0e+00  }
0xb6: {  	vm0 =	vmor vm13, vm12  }
0xb7: {  	v50 =	vsel vm0, $0x1, v1  }
0xb8: {  	(xrf0) =	vadd.scan.msk.s32 $0xffff, v50;
	_ =	sdelay $0x3  }
0xb9: {  	v51 =	vmpcnt.ones.xlane vm1;
	_ =	sdelay $0x1  }
0xba: {  	v33 =	vadd.s32 v51, v33;
	v52, _, _ =	vpop (xrf0)  }
0xbb: {  	v34 =	vadd.s32 v52, v33;
	_ =	sdelay $0x4  }
0xbc: {  	[tilespmem:v34+s8+$0x0] =	vst.idx.msk vm0, v19  }
0xbd: {  	v34 =	vld [tilespmem:$0x130];
	_ =	sdelay $0x4  }
0xbe: {  	vm14 =	vlt.f32 v34, $0.0e+00;
	vm15 =	vgt.f32 v34, $0.0e+00  }
0xbf: {  	vm1 =	vmor vm15, vm14  }
0xc0: {  	v53 =	vsel vm1, $0x1, v1  }
0xc1: {  	(xrf0) =	vadd.scan.msk.s32 $0xffff, v53;
	_ =	sdelay $0x3  }
0xc2: {  	v54 =	vmpcnt.ones.xlane vm0;
	_ =	sdelay $0x1  }
0xc3: {  	v33 =	vadd.s32 v54, v33;
	v55, _, _ =	vpop (xrf0)  }
0xc4: {  	v34 =	vadd.s32 v55, v33;
	_ =	sdelay $0x4  }
0xc5: {  	[tilespmem:v34+s8+$0x0] =	vst.idx.msk vm1, v20  }
0xc6: {  	v34 =	vld [tilespmem:$0x140];
	_ =	sdelay $0x4  }
0xc7: {  	vm4 =	vlt.f32 v34, $0.0e+00;
	vm5 =	vgt.f32 v34, $0.0e+00  }
0xc8: {  	vm0 =	vmor vm5, vm4  }
0xc9: {  	v56 =	vsel vm0, $0x1, v1  }
0xca: {  	(xrf0) =	vadd.scan.msk.s32 $0xffff, v56;
	_ =	sdelay $0x3  }
0xcb: {  	v57 =	vmpcnt.ones.xlane vm1;
	_ =	sdelay $0x1  }
0xcc: {  	v33 =	vadd.s32 v57, v33;
	v58, _, _ =	vpop (xrf0)  }
0xcd: {  	v34 =	vadd.s32 v58, v33;
	_ =	sdelay $0x4  }
0xce: {  	[tilespmem:v34+s8+$0x0] =	vst.idx.msk vm0, v21  }
0xcf: {  	v34 =	vld [tilespmem:$0x150];
	_ =	sdelay $0x4  }
0xd0: {  	vm6 =	vlt.f32 v34, $0.0e+00;
	vm7 =	vgt.f32 v34, $0.0e+00  }
0xd1: {  	vm1 =	vmor vm7, vm6  }
0xd2: {  	v59 =	vsel vm1, $0x1, v1  }
0xd3: {  	(xrf0) =	vadd.scan.msk.s32 $0xffff, v59;
	_ =	sdelay $0x3  }
0xd4: {  	v60 =	vmpcnt.ones.xlane vm0;
	_ =	sdelay $0x1  }
0xd5: {  	v33 =	vadd.s32 v60, v33;
	v61, _, _ =	vpop (xrf0)  }
0xd6: {  	v34 =	vadd.s32 v61, v33;
	_ =	sdelay $0x4  }
0xd7: {  	[tilespmem:v34+s8+$0x0] =	vst.idx.msk vm1, v22  }
0xd8: {  	v34 =	vld [tilespmem:$0x160];
	_ =	sdelay $0x4  }
0xd9: {  	vm8 =	vlt.f32 v34, $0.0e+00;
	vm9 =	vgt.f32 v34, $0.0e+00  }
0xda: {  	vm0 =	vmor vm9, vm8  }
0xdb: {  	v62 =	vsel vm0, $0x1, v1  }
0xdc: {  	(xrf0) =	vadd.scan.msk.s32 $0xffff, v62;
	_ =	sdelay $0x3  }
0xdd: {  	v63 =	vmpcnt.ones.xlane vm1;
	_ =	sdelay $0x1  }
0xde: {  	v33 =	vadd.s32 v63, v33;
	v36, _, _ =	vpop (xrf0)  }
0xdf: {  	v34 =	vadd.s32 v36, v33;
	_ =	sdelay $0x4  }
0xe0: {  	[tilespmem:v34+s8+$0x0] =	vst.idx.msk vm0, v23  }
0xe1: {  	v34 =	vld [tilespmem:$0x170];
	_ =	sdelay $0x4  }
0xe2: {  	vm10 =	vlt.f32 v34, $0.0e+00;
	vm11 =	vgt.f32 v34, $0.0e+00  }
0xe3: {  	vm1 =	vmor vm11, vm10  }
0xe4: {  	v37 =	vsel vm1, $0x1, v1  }
0xe5: {  	(xrf0) =	vadd.scan.msk.s32 $0xffff, v37;
	_ =	sdelay $0x3  }
0xe6: {  	v38 =	vmpcnt.ones.xlane vm0;
	_ =	sdelay $0x1  }
0xe7: {  	v33 =	vadd.s32 v38, v33;
	v39, _, _ =	vpop (xrf0)  }
0xe8: {  	v34 =	vadd.s32 v39, v33;
	_ =	sdelay $0x4  }
0xe9: {  	[tilespmem:v34+s8+$0x0] =	vst.idx.msk vm1, v24  }
0xea: {  	v34 =	vld [tilespmem:$0x180];
	_ =	sdelay $0x4  }
0xeb: {  	vm12 =	vlt.f32 v34, $0.0e+00;
	vm13 =	vgt.f32 v34, $0.0e+00  }
0xec: {  	vm0 =	vmor vm13, vm12  }
0xed: {  	v40 =	vsel vm0, $0x1, v1  }
0xee: {  	(xrf0) =	vadd.scan.msk.s32 $0xffff, v40;
	_ =	sdelay $0x3  }
0xef: {  	v41 =	vmpcnt.ones.xlane vm1;
	_ =	sdelay $0x1  }
0xf0: {  	v33 =	vadd.s32 v41, v33;
	v42, _, _ =	vpop (xrf0)  }
0xf1: {  	v34 =	vadd.s32 v42, v33;
	_ =	sdelay $0x4  }
0xf2: {  	[tilespmem:v34+s8+$0x0] =	vst.idx.msk vm0, v25  }
0xf3: {  	v34 =	vld [tilespmem:$0x190];
	_ =	sdelay $0x4  }
0xf4: {  	vm14 =	vlt.f32 v34, $0.0e+00;
	vm15 =	vgt.f32 v34, $0.0e+00  }
0xf5: {  	vm1 =	vmor vm15, vm14  }
0xf6: {  	v43 =	vsel vm1, $0x1, v1  }
0xf7: {  	(xrf0) =	vadd.scan.msk.s32 $0xffff, v43;
	_ =	sdelay $0x3  }
0xf8: {  	v44 =	vmpcnt.ones.xlane vm0;
	_ =	sdelay $0x1  }
0xf9: {  	v33 =	vadd.s32 v44, v33;
	v45, _, _ =	vpop (xrf0)  }
0xfa: {  	v34 =	vadd.s32 v45, v33;
	_ =	sdelay $0x4  }
0xfb: {  	[tilespmem:v34+s8+$0x0] =	vst.idx.msk vm1, v26  }
0xfc: {  	v34 =	vld [tilespmem:$0x1A0];
	_ =	sdelay $0x4  }
0xfd: {  	vm4 =	vlt.f32 v34, $0.0e+00;
	vm5 =	vgt.f32 v34, $0.0e+00  }
0xfe: {  	vm0 =	vmor vm5, vm4  }
0xff: {  	v46 =	vsel vm0, $0x1, v1  }
0x100: {  	(xrf0) =	vadd.scan.msk.s32 $0xffff, v46;
	_ =	sdelay $0x3  }
0x101: {  	v47 =	vmpcnt.ones.xlane vm1;
	_ =	sdelay $0x1  }
0x102: {  	v33 =	vadd.s32 v47, v33;
	v48, _, _ =	vpop (xrf0)  }
0x103: {  	v34 =	vadd.s32 v48, v33;
	_ =	sdelay $0x4  }
0x104: {  	[tilespmem:v34+s8+$0x0] =	vst.idx.msk vm0, v27  }
0x105: {  	v34 =	vld [tilespmem:$0x1B0];
	_ =	sdelay $0x4  }
0x106: {  	vm6 =	vlt.f32 v34, $0.0e+00;
	vm7 =	vgt.f32 v34, $0.0e+00  }
0x107: {  	vm1 =	vmor vm7, vm6  }
0x108: {  	v49 =	vsel vm1, $0x1, v1  }
0x109: {  	(xrf0) =	vadd.scan.msk.s32 $0xffff, v49;
	_ =	sdelay $0x3  }
0x10a: {  	v50 =	vmpcnt.ones.xlane vm0;
	_ =	sdelay $0x1  }
0x10b: {  	v33 =	vadd.s32 v50, v33;
	v51, _, _ =	vpop (xrf0)  }
0x10c: {  	v34 =	vadd.s32 v51, v33;
	_ =	sdelay $0x4  }
0x10d: {  	[tilespmem:v34+s8+$0x0] =	vst.idx.msk vm1, v28  }
0x10e: {  	v34 =	vld [tilespmem:$0x1C0];
	_ =	sdelay $0x4  }
0x10f: {  	vm8 =	vlt.f32 v34, $0.0e+00;
	vm9 =	vgt.f32 v34, $0.0e+00  }
0x110: {  	vm0 =	vmor vm9, vm8  }
0x111: {  	v52 =	vsel vm0, $0x1, v1  }
0x112: {  	(xrf0) =	vadd.scan.msk.s32 $0xffff, v52;
	_ =	sdelay $0x3  }
0x113: {  	v53 =	vmpcnt.ones.xlane vm1;
	_ =	sdelay $0x1  }
0x114: {  	v33 =	vadd.s32 v53, v33;
	v54, _, _ =	vpop (xrf0)  }
0x115: {  	v34 =	vadd.s32 v54, v33;
	_ =	sdelay $0x4  }
0x116: {  	[tilespmem:v34+s8+$0x0] =	vst.idx.msk vm0, v29  }
0x117: {  	v34 =	vld [tilespmem:$0x1D0];
	_ =	sdelay $0x4  }
0x118: {  	vm10 =	vlt.f32 v34, $0.0e+00;
	vm11 =	vgt.f32 v34, $0.0e+00  }
0x119: {  	vm1 =	vmor vm11, vm10  }
0x11a: {  	v55 =	vsel vm1, $0x1, v1  }
0x11b: {  	(xrf0) =	vadd.scan.msk.s32 $0xffff, v55;
	_ =	sdelay $0x3  }
0x11c: {  	v56 =	vmpcnt.ones.xlane vm0;
	_ =	sdelay $0x1  }
0x11d: {  	v33 =	vadd.s32 v56, v33;
	v57, _, _ =	vpop (xrf0)  }
0x11e: {  	v34 =	vadd.s32 v57, v33;
	_ =	sdelay $0x4  }
0x11f: {  	[tilespmem:v34+s8+$0x0] =	vst.idx.msk vm1, v30  }
0x120: {  	v34 =	vld [tilespmem:$0x1E0];
	_ =	sdelay $0x4  }
0x121: {  	vm12 =	vlt.f32 v34, $0.0e+00;
	vm13 =	vgt.f32 v34, $0.0e+00  }
0x122: {  	vm0 =	vmor vm13, vm12  }
0x123: {  	v58 =	vsel vm0, $0x1, v1  }
0x124: {  	(xrf0) =	vadd.scan.msk.s32 $0xffff, v58;
	_ =	sdelay $0x3  }
0x125: {  	v59 =	vmpcnt.ones.xlane vm1;
	_ =	sdelay $0x1  }
0x126: {  	v33 =	vadd.s32 v59, v33;
	v60, _, _ =	vpop (xrf0)  }
0x127: {  	v34 =	vadd.s32 v60, v33;
	_ =	sdelay $0x4  }
0x128: {  	[tilespmem:v34+s8+$0x0] =	vst.idx.msk vm0, v31  }
0x129: {  	v34 =	vld [tilespmem:$0x1F0];
	_ =	sdelay $0x4  }
0x12a: {  	vm14 =	vlt.f32 v34, $0.0e+00;
	vm15 =	vgt.f32 v34, $0.0e+00  }
0x12b: {  	vm1 =	vmor vm15, vm14  }
0x12c: {  	v61 =	vsel vm1, $0x1, v1  }
0x12d: {  	(xrf0) =	vadd.scan.msk.s32 $0xffff, v61;
	_ =	sdelay $0x3  }
0x12e: {  	v62 =	vmpcnt.ones.xlane vm0;
	_ =	sdelay $0x1  }
0x12f: {  	v33 =	vadd.s32 v62, v33;
	v63, _, _ =	vpop (xrf0)  }
0x130: {  	v33 =	vadd.s32 v63, v33;
	_ =	sdelay $0x4  }
0x131: {  	[tilespmem:v33+s8+$0x0] =	vst.idx.msk vm1, v32  }
0x132: {  	[tilespmem:s10], [sflag:$0x1] =	stream.indirect.gather [hbm4b:s3+s9], $0x120, s8, s9, $0xb8;
	[tilespmem:$0xFEE0] =	vst v63  }
0x133: {  	_ = 	snop  }
0x134: {  	[tilespmem:s12], [sflag:$0x1] =	stream.indirect.gather [hbm4b:s3+s9], $0x120, s11, s9, $0xb8;
	[tilespmem:$0xFEE0] =	vst v63  }
0x135: {  	_ =	swait.ge [sflag:s13], $0x7E00  }
0x136: {  	[sflag:s13] =	ssyncset.done $0x0  }
0x137: {  	[sflag:s13] =	ssyncadd.s32 $0xFFFF8200  }
0x138: {  	_ =	swait.ge [sflag:s13], $0x7E00  }
0x139: {  	p0 =	sne.s32 s16, $0x3C0;
	[sflag:s13] =	ssyncset.done $0x0  }
.Ltmp0:
0x13a: {  	[sflag:s13] =	ssyncadd.s32 $0xFFFF8200;
	(pc) =	sbr.rel @p0 .LBB2_2-.Ltmp0, $4  }
0x13b: {  	[hbm4b:s15+s1] =	stream.linear.scatter [tilespmem:s10], [sflag:$0x2], $0xFC00, $0x38;
	[tilespmem:$0xFEE0] =	vst v63  }
0x13c: {  	_ =	swait.ge [sflag:s7], $0xFC00  }
0x13d: {  	[sflag:s7] =	ssyncset.done $0x0  }
0x13e: {  	s16 =	sadd.s32 $0x40, s16;
	s15 =	sadd.s32 $0x1F80, s15;
	[sflag:s7] =	ssyncadd.s32 $0xFFFF0400  }
0x13f: {  	s14 =	sadd.s32 $0x1, s14  }
0x140: {  	p0 =	sne.s32 s14, s4  }
.Ltmp1:
0x141: {  	_ = 	snop;
	(pc) =	sbr.rel @p0 .LBB2_1-.Ltmp1, $1  }
0x142: {  	_ =	sdelay $0x3  }
0x143: {  	_ =	sfence.sel $0x180000  }
0x144: {  	[bflag:$0x0] =	sbarrier.arrive $0xFFFF  }
0x145: {  	p0 =	sne.s32 s2, $0x0;
	_ =	strace $0x90000047  }
0x146: {  	s0 =	sadd.s32 @!p0 $0x100000, s0;
	[bflag:$0x2] =	sbarrier.arrive $0xFFFF  }
0x147: {  	[sflag:s0] =	ssyncadd.tile.s32 @!p0 $0x1;
	_ =	shalt  }
.Lfunc_end2:
_tile_overlayer_lowered:
.L_overlay_start_2:
0x148: {  	(tag) =	ssettag $0x2  }
0x149: {  	s0 =	rddreg [dreg:$0x0];
	s2 =	stileid.u32  }
0x14a: {  	s1 =	rddreg [dreg:$0x1];
	p0 =	sne.s32 s2, $0x0  }
0x14b: {  	s3 =	rddreg [dreg:$0x2];
	[bflag:$0x3] =	sbarrier.arrive $0xFFFF;
	s2 =	simm.s32 @!p0 $0x1C02  }
0x14c: {  	[timem:s3], [sflag:s2] =	dma.local @!p0 [hbm:s0], s1  }
0x14d: {  	s0 =	simm.s32 @!p0 $0x2  }
0x14e: {  	_ =	swait.ge @!p0 [sflag:s0], s1  }
0x14f: {  	s1 =	ssub.s32 @!p0 $0x0, s1;
	[sflag:s0] =	ssyncset.done @!p0 $0x0  }
0x150: {  	[sflag:s0] =	ssyncadd.s32 @!p0 s1  }
0x151: {  	[bflag:$0x3] =	sbarrier.arrive $0xFFFF  }
0x152: {  	_ =	shalt  }

// kernel: sparse-core-data-format-call.cloned.1.call-start
scs
called_computation_lowered:
.L_overlay_start_0:
0x0: {  	s2 =	sld [smem:$0x3FD9]  }
0x1: {  	s3 =	sld [smem:$0x3FFE];
	_ =	sdelay $0x1  }
0x2: {  	s1 =	srdreg.scid  }
0x3: {  	s0 =	sand.u32 $0x1, s1  }
0x4: {  	s18 =	sshll.u32 s0, $0xA;
	s2 =	sadd.s32 s3, s2  }
0x5: {  	s2 =	sadd.s32 s2, s18  }
0x6: {  	[smem:$0x3FC5] =	sst s2  }
0x7: {  	_ = 	snop  }
0x8: {  	s2 =	sld [smem:$0x3FD0];
	(tm) =	ssettm $0x1  }
0x9: {  	s19 =	sld [smem:$0x3FFB];
	_ =	sdelay $0x3  }
0xa: {  	_ =	strace s19  }
0xb: {  	s3 =	sld [smem:$0x3FFC];
	_ =	sdelay $0x3  }
0xc: {  	_ =	strace s3  }
0xd: {  	s3 =	sld [smem:$0x3FFD];
	_ =	sdelay $0x3  }
0xe: {  	_ =	strace s3  }
0xf: {  	_ =	strace $0x8FFFFFFF  }
0x10: {  	s20 =	sld [smem:$0x3FDB];
	_ =	sdelay $0x1  }
0x11: {  	s4 =	simm.s32 $_scs_section_size  }
0x12: {  	s5 =	simm.s32 $_size__tile_overlayer_lowered;
	s6 =	simm.s32 $_tile_overlayer_lowered  }
0x13: {  	s23 =	simm.s32 $0x1BFF;
	s22 =	sshll.u32 s6, $0x1;
	s3 =	sadd.s32 s4, s20  }
0x14: {  	s7 =	simm.s32 $0x0;
	s21 =	sshll.u32 s5, $0x1;
	s5 =	sadd.s32 s22, s3  }
0x15: {  	[timem:s7], [sflag:s23] =	dma.local [hbm:s5], s21  }
0x16: {  	_ =	swait.ge [sflag:s23], s21  }
0x17: {  	s4 =	ssub.s32 $0x0, s21;
	[sflag:s23] =	ssyncset.done $0x0  }
0x18: {  	[sflag:s23] =	ssyncadd.s32 s4;
	_ =	sdelay $0x1  }
0x19: {  	s24 =	simm.s32 $0x1B8B  }
0x1a: {  	_ =	swait.ge [sflag:s24], $0x1  }
0x1b: {  	[sflag:s24] =	ssyncset.done $0x0  }
0x1c: {  	s26 =	simm.s32 $0x1B8E;
	s25 =	sld [smem:$0x3FFE];
	[sflag:s24] =	ssyncadd.s32 $0xFFFFFFFF  }
0x1d: {  	s27 =	simm.s32 $execute0_lowered;
	[smem:$0x3FD2] =	sst s26  }
0x1e: {  	s5 =	sshll.u32 s27, $0x1;
	_ =	strace $0x80000049;
	[dreg:$0x1] =	wrdreg $0xFFFFFFFF  }
0x1f: {  	s28 =	simm.s32 $_size_execute0_lowered;
	s3 =	sadd.s32 s3, s5;
	[dreg:$0x0] =	wrdreg $0x0  }
0x20: {  	s5 =	sshll.u32 s28, $0x1;
	[dreg:$0x2] =	wrdreg s3  }
0x21: {  	[dreg:$0x3] =	wrdreg s5  }
0x22: {  	[dreg:$0x4] =	wrdreg $0xC0  }
0x23: {  	_ =	task [dreg:s7], $0x5FFFF  }
0x24: {  	[dreg:$0x1] =	wrdreg $0xFFFFFFFF  }
0x25: {  	[dreg:$0x0] =	wrdreg $0x60  }
0x26: {  	[dreg:$0x2] =	wrdreg s25  }
0x27: {  	[dreg:$0x3] =	wrdreg s2  }
0x28: {  	[dreg:$0x4] =	wrdreg $0x9  }
0x29: {  	_ =	task.clear_ibuf [dreg:s7], $0x5FFFF;
	_ =	strace $0x90000049  }
0x2a: {  	s29 =	simm.s32 $0x9;
	_ =	strace $0x8000004B  }
0x2b: {  	_ =	swait.ge [sflag:s29], $0x1  }
0x2c: {  	[sflag:s29] =	ssyncadd.s32 $0xFFFFFFFF  }
0x2d: {  	_ =	strace $0x9000004B  }
0x2e: {  	_ =	sfence  }
0x2f: {  	s30 =	sld [smem:$0x0];
	_ =	sdelay $0x2  }
0x30: {  	s31 =	sshll.u32 s1, $0xD;
	s1 =	sshrl.u32 s1, $0x2  }
0x31: {  	s3 =	sand.u32 $0x4000, s31;
	s1 =	sadd.s32 s1, s30  }
0x32: {  	s0 =	sor.u32 s3, s0;
	s1 =	sshll.u32 s1, $0x11  }
0x33: {  	s0 =	sor.u32 s1, s0  }
0x34: {  	s0 =	sadd.s32 $0x8F2B, s0  }
0x35: {  	[sflag:s0] =	ssyncadd.remote.s32 $0x1  }
0x36: {  	_ =	sfence.sel $0xFFFF  }
0x37: {  	[dreg:$0x0] =	wrdreg $0xFFFFFFFF;
	(pc) =	sbr.abs _section_cstart, $3  }
0x38: {  	[dreg:$0x1] =	wrdreg $0xFFFFFFFF  }
0x39: {  	_ =	task.clear_ibuf [dreg:s7], $0x2FFFF;
	_ =	strace $0x9FFFFFFF  }
0x3a: {  	(tm) =	ssettm $0x7FFFFFFF  }
0x3b: {  	_ =	shalt  }
tec
execute0_lowered:
.L_overlay_start_1:
0x0: {  	(tag) =	ssettag $0x1  }
0x1: {  	s4 =	rddreg [dreg:$0x0]  }
0x2: {  	s0 =	stileid.u32;
	s2 =	rddreg [dreg:$0x1]  }
0x3: {  	s7 =	srdreg.scid;
	s8 =	simm.s32 $0x2;
	s17 =	simm.s32 $0x0  }
0x4: {  	s9 =	simm.s32 $0x1000;
	s19 =	simm.s32 $0x0;
	s18 =	simm.s32 $0x0  }
0x5: {  	s10 =	simm.s32 $0x0;
	s11 =	simm.s32 $0x0;
	s1 =	sshll.u32 s0, $0x7  }
0x6: {  	s12 =	simm.s32 $0x0;
	s13 =	simm.s32 $0x0;
	s3 =	sand.u32 $0x180, s1  }
0x7: {  	s16 =	simm.s32 $0x0;
	s7 =	sshll.u32 s7, $0x4;
	s5 =	ssub.s32 $0x200, s3  }
0x8: {  	s4 =	sadd.s32 $0x800, s4;
	s1 =	rddreg [dreg:$0x2];
	s6 =	sand.u32 $0x180, s5  }
0x9: {  	s7 =	sand.u32 $0x10, s7;
	p0 =	sne.s32 s6, $0x0;
	s6 =	simm.s32 $0x1  }
.Ltmp0:
0xa: {  	s5 =	sshrl.u32 s5, $0x9;
	s6 =	simm.s32 @!p0 $0x0;
	(pc) =	sbr.rel .LBB1_1-.Ltmp0, $4  }
0xb: {  	_ =	strace $0x8000004A;
	s7 =	sor.u32 s0, s7;
	s6 =	sadd.s32 s6, s5  }
0xc: {  	s7 =	sshrl.u32 s7, $0x2;
	s5 =	simm.s32 $0x1;
	s6 =	smul.u32 $0x54, s6  }
0xd: {  	s15 =	smov.u32 s3;
	s14 =	smov.u32 s7;
	[sflag:s5] =	ssyncpa.u1 $0x0  }
0xe: {  	p0 =	por $0x0, $0x0;
	[sflag:s8] =	ssyncpa.u1 $0x0;
	s8 =	sor.u32 $0x1, s6  }
.LBB1_4:
0xf: {  	s25 =	sshll.u32 s10, $0x9;
	s26 =	sshll.u32 s12, $0x3  }
0x10: {  	s27 =	sshll.u32 s10, $0x7;
	s24 =	sshra.s32 s24, $0x2;
	p1 =	sgt.s32 s11, $0xDF  }
0x11: {  	s28 =	sshra.s32 s11, $0x1F;
	p2 =	sgt.s32 s12, $0x180;
	s29 =	smov.u32 s12  }
0x12: {  	s25 =	sand.u32 $0xFFFFF000, s25;
	s26 =	sand.u32 $0xFFFFFC00, s26;
	s30 =	sand.u32 $0x200, s27  }
0x13: {  	s28 =	sand.u32 s28, s11;
	s23 =	sadd.s32 s24, s23;
	s29 =	simm.s32 @!p2 $0x180  }
0x14: {  	p2 =	sgt.s32 s10, $0xA0;
	s25 =	sadd.s32 s26, s25;
	s26 =	smov.u32 s11  }
0x15: {  	s27 =	sand.u32 $0x180, s27;
	s25 =	sor.u32 s30, s25;
	s26 =	simm.s32 @!p1 $0xDF  }
0x16: {  	s30 =	sshra.s32 s12, $0x1F;
	s25 =	sshrl.u32 s25, $0x9;
	s26 =	ssub.s32 s26, s28  }
0x17: {  	v5 =	vld [tilespmem:s21+$0xFFFFFFD0];
	[tilespmem:s22+$0x2040 ss:$0x81] =	vst.msk $0xffff, v4;
	s31 =	sand.u32 s30, s12;
	s30 =	smov.u32 s10;
	s24 =	smulhi.u32 $0xE38E39, s25  }
0x18: {  	v58 =	vld [tilespmem:s21+$0xFFFFFFE0];
	[tilespmem:s22+$0x2850 ss:$0x81] =	vst.msk $0xffff, v3;
	s28 =	sadd.s32 $0xFFFFFF21, s26;
	s26 =	ssub.s32 $0xE0, s26;
	s30 =	simm.s32 @!p2 $0xA0  }
0x19: {  	v59 =	vld [tilespmem:s21+$0xFFFFFFF0];
	[tilespmem:s22+$0x3060 ss:$0x81] =	vst.msk $0xffff, v2;
	p1 =	sgt.s32 s28, $0x0;
	s28 =	ssub.s32 s29, s31;
	s31 =	sshra.s32 s10, $0x1F  }
0x1a: {  	[tilespmem:s22+$0x0 ss:$0x81] =	vst.msk $0xffff, v1;
	v60 =	vld [tilespmem:s21+$0x0];
	s29 =	sand.u32 s31, s10;
	s26 =	simm.s32 @p1 $0x0;
	s24 =	smul.u32 $0x120, s24  }
0x1b: {  	v61 =	vld [tilespmem:s21+$0x10];
	[tilespmem:s23+$0x3870 ss:$0x81] =	vst.msk $0xffff, v0;
	s22 =	ssub.s32 s30, s29;
	s30 =	sadd.s32 $0xFFFFFE80, s28;
	s28 =	ssub.s32 $0x200, s28  }
0x1c: {  	v62 =	vld [tilespmem:s21+$0x20];
	[tilespmem:s23+$0x810 ss:$0x81] =	vst.msk $0xffff, v5;
	s29 =	sand.u32 $0x7, s12;
	p1 =	sgt.s32 s30, $0x7F;
	s31 =	sadd.s32 $0xFFFFFF60, s22  }
0x1d: {  	v63 =	vld [tilespmem:s21+$0xFFFFFFC0];
	[tilespmem:s23+$0x1020 ss:$0x81] =	vst.msk $0xffff, v58;
	p2 =	sgt.s32 s31, $0x7F;
	s28 =	simm.s32 @p1 $0x0;
	s31 =	smul.u32 $0x4800, s11  }
0x1e: {  	[tilespmem:s23+$0x1830 ss:$0x81] =	vst.msk $0xffff, v59;
	s30 =	sand.u32 $0x78, s12;
	s22 =	ssub.s32 $0x120, s22;
	s26 =	smul.u32 s28, s26  }
0x1f: {  	[tilespmem:s23+$0x2040 ss:$0x81] =	vst.msk $0xffff, v60;
	s24 =	ssub.s32 s25, s24;
	s21 =	sor.u32 s30, s27;
	s22 =	simm.s32 @p2 $0x0  }
0x20: {  	[tilespmem:s23+$0x2850 ss:$0x81] =	vst.msk $0xffff, v61;
	s21 =	sshrl.u32 s21, $0x3;
	s28 =	sadd.s32 s2, s31;
	s22 =	smul.u32 s22, s26  }
0x21: {  	[tilespmem:s23+$0x3060 ss:$0x81] =	vst.msk $0xffff, v62;
	s24 =	sshll.u32 s24, $0x6;
	s30 =	sshll.u32 s29, $0x12;
	s21 =	sadd.s32 s21, s28  }
0x22: {  	[tilespmem:s23+$0x0 ss:$0x81] =	vst.msk $0xffff, v63;
	s31 =	sor.u32 $0x400, s30;
	s21 =	sadd.s32 s24, s21;
	s22 =	sand.u32 $0x3FFFFFFF, s22  }
0x23: {  	[hbm4b:s21+s31] =	stream.strided.scatter [tilespmem:s20], [sflag:$0x2], s22, s9, s31, $0x20;
	[tilespmem:$0x10100] =	vst v63  }
.LBB1_5:
0x24: {  	p1 =	slt.u32 s16, $0x2  }
0x25: {  	p2 =	sgt.s32 @!p1 s19, $0xDF  }
0x26: {  	s20 =	smov.u32 s19;
	s21 =	sshra.s32 @!p1 s19, $0x1F;
	p2 =	por !p2, p1  }
0x27: {  	s19 =	sand.u32 @!p1 s21, s19;
	s20 =	simm.s32 @p2 $0xDF  }
0x28: {  	p3 =	sgt.s32 @!p1 s18, $0x180;
	s19 =	ssub.s32 @!p1 s20, s19  }
0x29: {  	p3 =	por !p3, p1;
	s21 =	sshra.s32 @!p1 s18, $0x1F;
	s20 =	sadd.s32 @!p1 $0xFFFFFF21, s19  }
0x2a: {  	s19 =	ssub.s32 @!p1 $0xE0, s19;
	p2 =	sgt.s32 @!p1 s20, $0x0;
	s20 =	smov.u32 s18  }
0x2b: {  	s18 =	sand.u32 @!p1 s21, s18;
	s20 =	simm.s32 @p3 $0x180;
	p3 =	sgt.s32 @!p1 s17, $0xA0  }
0x2c: {  	s21 =	smov.u32 s17;
	p2 =	por !p2, p1;
	p3 =	por !p3, p1  }
0x2d: {  	s18 =	ssub.s32 @!p1 s20, s18;
	s20 =	sshra.s32 @!p1 s17, $0x1F;
	s19 =	simm.s32 @!p2 $0x0  }
0x2e: {  	s21 =	simm.s32 @p3 $0xA0;
	s17 =	sand.u32 @!p1 s20, s17;
	s20 =	sadd.s32 @!p1 $0xFFFFFE80, s18  }
0x2f: {  	s18 =	ssub.s32 @!p1 $0x200, s18;
	s17 =	ssub.s32 @!p1 s21, s17;
	p2 =	sgt.s32 @!p1 s20, $0x7F  }
0x30: {  	s21 =	smov.u32 s14;
	s20 =	sadd.s32 @!p1 $0xFFFFFF60, s17;
	p2 =	por !p2, p1  }
0x31: {  	s17 =	ssub.s32 @!p1 $0x120, s17;
	p3 =	sgt.s32 @!p1 s20, $0x7F;
	s18 =	simm.s32 @!p2 $0x0  }
0x32: {  	s20 =	sadd.s32 $0x80, s13;
	p2 =	por !p3, p1;
	s18 =	smul.u32 @!p1 s18, s19  }
0x33: {  	s19 =	sadd.s32 $0x8, s14;
	s17 =	simm.s32 @!p2 $0x0;
	p2 =	sgt.s32 s20, $0x11F  }
0x34: {  	s22 =	smov.u32 s15;
	s21 =	smov.u32 @p2 s19  }
0x35: {  	s17 =	smul.u32 @!p1 s17, s18;
	s18 =	sadd.s32 $0x200, s15;
	p3 =	sgt.s32 s21, $0xDF  }
0x36: {  	p0 =	por !p0, !p0;
	s23 =	simm.s32 @!p1 $0x2;
	s22 =	smov.u32 @p3 s18  }
0x37: {  	s20 =	simm.s32 @p2 $0x0;
	s19 =	smov.u32 s11;
	p2 =	sgt.s32 s22, $0x1FF  }
0x38: {  	s11 =	smov.u32 s14;
	s22 =	smov.u32 @p2 s3;
	p2 =	sne.s32 s16, s8  }
.Ltmp1:
0x39: {  	s17 =	sand.u32 @!p1 $0x3FFFFFFF, s17;
	s21 =	smov.u32 @p3 s7;
	(pc) =	sbr.rel @!p2 .LBB1_6-.Ltmp1, $4  }
0x3a: {  	s18 =	smov.u32 s12;
	s12 =	smov.u32 s15;
	_ =	swait.ge @!p1 [sflag:s23], s17  }
0x3b: {  	s24 =	ssub.s32 @!p1 $0x0, s17;
	s17 =	smov.u32 s10;
	s10 =	smov.u32 s13  }
0x3c: {  	s13 =	smov.u32 s20;
	s14 =	smov.u32 s21;
	[sflag:s23] =	ssyncset.done @!p1 $0x0  }
0x3d: {  	s16 =	sadd.s32 $0x1, s16;
	[sflag:s23] =	ssyncadd.s32 @!p1 s24;
	s15 =	smov.u32 s22  }
.LBB1_1:
0x3e: {  	p1 =	sge.u32 s16, s6  }
0x3f: {  	s20 =	sshrl.u32 @!p1 s14, $0x3  }
0x40: {  	s21 =	sshll.u32 @!p1 s13, $0x3;
	s20 =	smul.u32 @!p1 $0xC00, s20  }
0x41: {  	s22 =	sshll.u32 @!p1 s14, $0x7;
	s21 =	sand.u32 @!p1 $0xFFFFFC00, s21  }
0x42: {  	s20 =	sadd.s32 @!p1 s20, s21;
	s21 =	sand.u32 @!p1 $0x380, s22  }
0x43: {  	s20 =	sor.u32 @!p1 s21, s20  }
0x44: {  	s21 =	sand.u32 @!p1 $0x7F, s13;
	s22 =	smulhi.u32 @!p1 $0xAAAAAAAB, s20  }
0x45: {  	s20 =	sor.u32 @!p1 s21, s20  }
0x46: {  	s21 =	smulhi.u32 @!p1 $0xAAAAAAAB, s20;
	s22 =	sshrl.u32 @!p1 s22, $0x8  }
0x47: {  	s23 =	smulhi.u32 @!p1 $0x124924A, s22;
	_ =	sdelay $0x1  }
0x48: {  	s21 =	sshrl.u32 @!p1 s21, $0x8;
	s23 =	smul.u32 @!p1 $0xE0, s23  }
0x49: {  	s31 =	sadd.s32 $0xFFFFFFFF, s16;
	s21 =	smul.u32 @!p1 $0x180, s21  }
0x4a: {  	s24 =	sxor.u32 @!p1 $0xFFFFFFFF, s16;
	s22 =	ssub.s32 @!p1 s22, s23;
	s23 =	smul.u32 @!p1 $0x2A00, s15  }
0x4b: {  	s24 =	sshll.u32 @!p1 s24, $0xE;
	s20 =	ssub.s32 @!p1 s20, s21;
	s21 =	smul.u32 @!p1 $0x30, s22  }
0x4c: {  	s22 =	sand.u32 @!p1 $0x4000, s24;
	s24 =	sand.u32 @!p1 $0x7, s20;
	s23 =	sadd.s32 @!p1 s4, s23  }
0x4d: {  	s20 =	sshrl.u32 @!p1 s20, $0x3;
	s21 =	sadd.s32 @!p1 s21, s23;
	s23 =	sshll.u32 @!p1 s24, $0x12  }
0x4e: {  	s20 =	sadd.s32 @!p1 s20, s21;
	s21 =	sor.u32 @!p1 $0x80, s23;
	s23 =	simm.s32 @!p1 $0x15000  }
0x4f: {  	[tilespmem:s22], [sflag:$0x1] =	stream.strided.gather @!p1 [hbm4b:s20+s21], $0x4000, s23, s21, $0x38;
	[tilespmem:$0x10100] =	vst v63  }
0x50: {  	p1 =	sge.u32 s31, s6  }
.Ltmp2:
0x51: {  	_ = 	snop;
	(pc) =	sbr.rel @p1 .LBB1_5-.Ltmp2, $1  }
0x52: {  	_ =	sdelay $0x3  }
0x53: {  	s20 =	simm.s32 $0x1  }
0x54: {  	_ =	swait.ge [sflag:s5], $0x4000;
	s20 =	simm.s32 @!p0 $0x0  }
0x55: {  	[sflag:s5] =	ssyncset.done $0x0;
	s21 =	sshll.u32 s20, $0xE  }
0x56: {  	[sflag:s5] =	ssyncadd.s32 $0xFFFFC000;
	s21 =	sor.u32 $0x40, s21  }
0x57: {  	s20 =	smul.u32 $0x10200, s20;
	v0 =	vld [tilespmem:s21+$0x30]  }
0x58: {  	v1 =	vld [tilespmem:s21+$0xFFFFFFD0]  }
0x59: {  	s20 =	sshrl.u32 s20, $0x2;
	v5 =	vld [tilespmem:s21+$0xFFFFFFE0]  }
0x5a: {  	v6 =	vld [tilespmem:s21+$0xFFFFFFF0];
	s23 =	sor.u32 $0x8000, s20  }
0x5b: {  	s31 =	sand.u32 $0x1, s16;
	v4 =	vld [tilespmem:s21+$0x0];
	s22 =	sadd.s32 $0x0, s23  }
0x5c: {  	v3 =	vld [tilespmem:s21+$0x10];
	s20 =	smul.u32 $0x10200, s31;
	[tilespmem:s22+$0x3870 ss:$0x81] =	vst.msk $0xffff, v0  }
0x5d: {  	v2 =	vld [tilespmem:s21+$0x20];
	[tilespmem:s22+$0x810 ss:$0x81] =	vst.msk $0xffff, v1  }
0x5e: {  	s20 =	sshrl.u32 s20, $0x2;
	v1 =	vld [tilespmem:s21+$0xFFFFFFC0];
	[tilespmem:s22+$0x1020 ss:$0x81] =	vst.msk $0xffff, v5;
	s21 =	sadd.s32 $0x80, s21  }
0x5f: {  	s24 =	simm.s32 $0x4;
	s25 =	simm.s32 $0x8;
	s20 =	sor.u32 $0x8000, s20;
	[tilespmem:s22+$0x1830 ss:$0x81] =	vst.msk $0xffff, v6;
	v0 =	vld [tilespmem:s21+$0x30]  }
.LBB1_3:
0x60: {  	p1 =	sne.s32 s25, $0x1FC;
	v5 =	vld [tilespmem:s21+$0xFFFFFFD0];
	[tilespmem:s22+$0x2040 ss:$0x81] =	vst.msk $0xffff, v4  }
0x61: {  	v6 =	vld [tilespmem:s21+$0xFFFFFFE0];
	[tilespmem:s22+$0x2850 ss:$0x81] =	vst.msk $0xffff, v3  }
0x62: {  	s26 =	sshra.s32 s24, $0x2;
	s24 =	smov.u32 s25;
	v7 =	vld [tilespmem:s21+$0xFFFFFFF0];
	[tilespmem:s22+$0x3060 ss:$0x81] =	vst.msk $0xffff, v2  }
.Ltmp3:
0x63: {  	v4 =	vld [tilespmem:s21+$0x0];
	[tilespmem:s22+$0x0 ss:$0x81] =	vst.msk $0xffff, v1;
	s22 =	sadd.s32 s26, s23;
	(pc) =	sbr.rel @p1 .LBB1_3-.Ltmp3, $4  }
0x64: {  	v3 =	vld [tilespmem:s21+$0x10];
	[tilespmem:s22+$0x3870 ss:$0x81] =	vst.msk $0xffff, v0  }
0x65: {  	[tilespmem:s22+$0x810 ss:$0x81] =	vst.msk $0xffff, v5;
	v2 =	vld [tilespmem:s21+$0x20]  }
0x66: {  	v1 =	vld [tilespmem:s21+$0xFFFFFFC0];
	[tilespmem:s22+$0x1020 ss:$0x81] =	vst.msk $0xffff, v6;
	s21 =	sadd.s32 $0x80, s21  }
0x67: {  	s25 =	sadd.s32 $0x4, s25;
	v0 =	vld [tilespmem:s21+$0x30];
	[tilespmem:s22+$0x1830 ss:$0x81] =	vst.msk $0xffff, v7  }
.Ltmp4:
0x68: {  	_ = 	snop;
	(pc) =	sbr.rel .LBB1_4-.Ltmp4, $1  }
0x69: {  	_ =	sdelay $0x3  }
.LBB1_6:
0x6a: {  	_ =	sfence.sel $0x180000  }
0x6b: {  	s2 =	simm.s32 $0x1;
	[bflag:$0x0] =	sbarrier.arrive $0xFFFF  }
0x6c: {  	s31 =	simm.s32 $0x2;
	[sflag:s2] =	ssyncpa.u1 $0x1  }
0x6d: {  	[sflag:s31] =	ssyncpa.u1 $0x1  }
0x6e: {  	p0 =	sne.s32 s0, $0x0;
	_ =	strace $0x9000004A  }
0x6f: {  	s0 =	sadd.s32 @!p0 $0x100000, s1;
	[bflag:$0x2] =	sbarrier.arrive $0xFFFF  }
0x70: {  	[sflag:s0] =	ssyncadd.tile.s32 @!p0 $0x1;
	_ =	shalt  }
.Lfunc_end1:
_tile_overlayer_lowered:
.L_overlay_start_2:
0x71: {  	(tag) =	ssettag $0x2  }
0x72: {  	s0 =	rddreg [dreg:$0x0];
	s2 =	stileid.u32  }
0x73: {  	s1 =	rddreg [dreg:$0x1];
	p0 =	sne.s32 s2, $0x0  }
0x74: {  	s3 =	rddreg [dreg:$0x2];
	[bflag:$0x3] =	sbarrier.arrive $0xFFFF;
	s2 =	simm.s32 @!p0 $0x1C01  }
0x75: {  	[timem:s3], [sflag:s2] =	dma.local @!p0 [hbm:s0], s1  }
0x76: {  	s0 =	simm.s32 @!p0 $0x1  }
0x77: {  	_ =	swait.ge @!p0 [sflag:s0], s1  }
0x78: {  	s1 =	ssub.s32 @!p0 $0x0, s1;
	[sflag:s0] =	ssyncset.done @!p0 $0x0  }
0x79: {  	[sflag:s0] =	ssyncadd.s32 @!p0 s1  }
0x7a: {  	[bflag:$0x3] =	sbarrier.arrive $0xFFFF  }
0x7b: {  	_ =	shalt  }

</sc_bundles>
